<compile_context>
chip_gen: v7x
topology: tpu7x:2x2x1
jax: 0.10.2.dev20260603
libtpu: 0.0.44.dev20260713+nightly
codegen_flags: <defaults>
</compile_context>

<pallas_src>
import functools

import jax
import jax.numpy as jnp
from jax import lax
from jax.experimental import pallas as pl
from jax.experimental.pallas import tpu as pltpu
from jax.experimental.pallas import tpu_sc as plsc

_B = 512
_D = 64
_L = 16


def _sqrt16(x):
    i = plsc.bitcast(x, jnp.int32)
    i = jnp.int32(0x5F3759DF) - lax.shift_right_logical(i, jnp.full((_L,), 1, jnp.int32))
    y = plsc.bitcast(i, jnp.float32)
    for _ in range(3):
        y = y * (1.5 - 0.5 * x * y * y)
    return jnp.where(x > 0.0, x * y, 0.0)


def _make_kernel():
    info = plsc.get_sparse_core_info()
    nc, ns = info.num_cores, info.num_subcores
    nw = nc * ns
    rows_per = _B // nw
    mesh = plsc.VectorSubcoreMesh(core_axis_name="c", subcore_axis_name="s")

    @functools.partial(
        pl.kernel,
        mesh=mesh,
        out_type=jax.ShapeDtypeStruct((_B,), jnp.float32),
        compiler_params=pltpu.CompilerParams(
            needs_layout_passes=False,
            skip_device_barrier=True,
        ),
        scratch_types=[
            pltpu.VMEM((rows_per,), jnp.int32),
            pltpu.VMEM((rows_per,), jnp.int32),
            pltpu.VMEM((rows_per, 2 * _D), jnp.float32),
            pltpu.VMEM((rows_per, 2 * _D), jnp.float32),
            pltpu.VMEM((rows_per,), jnp.float32),
            pltpu.SemaphoreType.DMA,
            pltpu.SemaphoreType.DMA,
        ],
    )
    def k(cidx_hbm, didx_hbm, table_hbm, out_hbm,
          cidx_v, didx_v, crows_v, drows_v, res_v, sem_c, sem_d):
        wid = lax.axis_index("s") * nc + lax.axis_index("c")
        base = wid * rows_per

        ip_c = pltpu.async_copy(cidx_hbm.at[pl.ds(base, rows_per)], cidx_v, sem_c)
        ip_d = pltpu.async_copy(didx_hbm.at[pl.ds(base, rows_per)], didx_v, sem_d)
        rows_i = lax.iota(jnp.int32, _L)
        zeros = jnp.zeros((_L,), jnp.int32)
        ip_c.wait()
        ip_d.wait()

        cp_c = pltpu.async_copy(table_hbm.at[cidx_v], crows_v, sem_c)
        cp_d = pltpu.async_copy(table_hbm.at[didx_v], drows_v, sem_d)
        cp_c.wait()
        cp_d.wait()

        z = jnp.zeros((_L,), jnp.float32)
        _U = 8

        def body(j, carry):
            ssq_lb, ssq_rt, shp = carry
            for u in range(_U):
                col = zeros + (j * _U + u)
                c1 = plsc.load_gather(crows_v, [rows_i, col])
                c2 = plsc.load_gather(crows_v, [rows_i, col + _D])
                d1 = plsc.load_gather(drows_v, [rows_i, col])
                d2 = plsc.load_gather(drows_v, [rows_i, col + _D])
                t1 = jnp.maximum(d1 - c1, 0.0)
                t2 = jnp.maximum(c1 + c2 - d2 - d1, 0.0)
                ssq_lb = ssq_lb + t1 * t1
                ssq_rt = ssq_rt + t2 * t2
                shp = shp + jnp.maximum(-c2, 0.0) + jnp.maximum(-d2, 0.0)
            return ssq_lb, ssq_rt, shp

        ssq_lb, ssq_rt, shp = lax.fori_loop(0, _D // _U, body, (z, z, z))

        res_v[...] = _sqrt16(ssq_lb) + _sqrt16(ssq_rt) + shp
        pltpu.sync_copy(res_v, out_hbm.at[pl.ds(base, rows_per)])

    return k


_sc_kernel = jax.jit(_make_kernel())


def kernel(input, class_emb):
    batch = input[:_B]
    out = _sc_kernel(batch[:, 0], batch[:, 1], class_emb)
    return out.reshape(_B, 1)

# --- scband reference (transcript-rebuilt; emitter-appended) ---
"""Pipeline reference for scband-elbox2-ball-model-49383533969682 (READ-ONLY COPY).

The authoritative reference and input builder live on the scoring server;
editing this copy changes nothing except your own understanding.
"""

import jax, jax.numpy as jnp
import numpy as np

CLASS_NUM = 1000000
EMBED_DIM = 64
MARGIN = 0.0
BATCH = 512
POOL = 4096


def setup_inputs(seed: int = 0) -> dict:
    key = jax.random.key(seed)
    k1, k2 = jax.random.split(key)
    table = jax.random.uniform(k1, (CLASS_NUM, 2 * EMBED_DIM), minval=-1.0, maxval=1.0, dtype=jnp.float32)
    table = table / jnp.linalg.norm(table, axis=1, keepdims=True)
    idx = jax.random.randint(k2, (POOL, 2), 0, CLASS_NUM, dtype=jnp.int32)
    return {"input": idx, "class_emb": table}


def reference(input, class_emb):
    # deterministic stand-in for np.random.choice(len(nf1), size=512): take first 512 rows
    batch = input[:BATCH]
    c = jnp.take(class_emb, batch[:, 0], axis=0)
    d = jnp.take(class_emb, batch[:, 1], axis=0)
    c1 = c[:, :EMBED_DIM]
    c2 = c[:, EMBED_DIM:]
    d1 = d[:, :EMBED_DIM]
    d2 = d[:, EMBED_DIM:]
    relu = jax.nn.relu
    leftBottomLimit = jnp.linalg.norm(relu(d1 - c1 + MARGIN), axis=1).reshape(-1, 1)
    righttopLimit = jnp.linalg.norm(relu(c1 + c2 - d2 - d1 + MARGIN), axis=1).reshape(-1, 1)
    shapeLimit = jnp.sum(jnp.abs(relu(-c2)), axis=1).reshape(-1, 1)
    shapeLimit = shapeLimit + jnp.sum(jnp.abs(relu(-d2)), axis=1).reshape(-1, 1)
    return leftBottomLimit + righttopLimit + shapeLimit

if __name__ == "__main__":
    import jax
    _d = setup_inputs()
    print(jax.jit(kernel)(*tuple(_d.values())))

</pallas_src>

<mosaic_0001>
#map = affine_map<(d0, d1) -> (0)>
#map1 = affine_map<(d0, d1) -> (0, 0)>
module attributes {stable_mosaic.version = 14 : i64} {
  func.func @k(%arg0: i32, %arg1: i32, %arg2: memref<512xi32, #tpu.memory_space<hbm>>, %arg3: memref<512xi32, #tpu.memory_space<hbm>>, %arg4: memref<1000000x128xf32, #tpu.memory_space<hbm>>, %arg5: memref<512xf32, #tpu.memory_space<hbm>>, %arg6: memref<16xi32, #tpu.memory_space<vmem>>, %arg7: memref<16xi32, #tpu.memory_space<vmem>>, %arg8: memref<16x128xf32, #tpu.memory_space<vmem>>, %arg9: memref<16x128xf32, #tpu.memory_space<vmem>>, %arg10: memref<16xf32, #tpu.memory_space<vmem>>, %arg11: memref<!tpu.dma_semaphore, #tpu.memory_space<semaphore_mem>>, %arg12: memref<!tpu.dma_semaphore, #tpu.memory_space<semaphore_mem>>) attributes {dimension_semantics = [#tpu.dimension_semantics<core_parallel>, #tpu.dimension_semantics<subcore_parallel>], iteration_bounds = array<i64: 2, 16>, scalar_prefetch = 0 : i64, scratch_operands = 7 : i64, tpu.core_type = #tpu.core_type<sc_vector_subcore>, window_params = [{transform_indices = #map}, {transform_indices = #map}, {transform_indices = #map1}, {transform_indices = #map}]} {
    %mul3A = arith.constant 2 : i32
    %mul3A_0 = arith.muli %arg1, %mul3A : i32
    %add3A = arith.addi %mul3A_0, %arg0 : i32
    %mul3A_1 = arith.constant 16 : i32
    %mul3A_2 = arith.muli %add3A, %mul3A_1 : i32
    %dma_start3A = tpu.memref_slice %arg2[%mul3A_2] : memref<512xi32, #tpu.memory_space<hbm>> -> memref<16xi32, #tpu.memory_space<hbm>>
    %dma_start3A_3 = tpu.memref_slice %arg2[%mul3A_2] : memref<512xi32, #tpu.memory_space<hbm>> -> memref<16xi32, #tpu.memory_space<hbm>>
    tpu.enqueue_dma source(%dma_start3A_3 : memref<16xi32, #tpu.memory_space<hbm>>) target(%arg6 : memref<16xi32, #tpu.memory_space<vmem>>) target_semaphore(%arg11 : memref<!tpu.dma_semaphore, #tpu.memory_space<semaphore_mem>>)
    %dma_start3A_4 = tpu.memref_slice %arg3[%mul3A_2] : memref<512xi32, #tpu.memory_space<hbm>> -> memref<16xi32, #tpu.memory_space<hbm>>
    %dma_start3A_5 = tpu.memref_slice %arg3[%mul3A_2] : memref<512xi32, #tpu.memory_space<hbm>> -> memref<16xi32, #tpu.memory_space<hbm>>
    tpu.enqueue_dma source(%dma_start3A_5 : memref<16xi32, #tpu.memory_space<hbm>>) target(%arg7 : memref<16xi32, #tpu.memory_space<vmem>>) target_semaphore(%arg12 : memref<!tpu.dma_semaphore, #tpu.memory_space<semaphore_mem>>)
    %iota3A = tpu.iota {dimensions = array<i32: 0>} : vector<16xi32>
    %broadcast_in_dim3A = arith.constant 0 : i32
    %broadcast_in_dim3A_6 = vector.broadcast %broadcast_in_dim3A : i32 to vector<16xi32>
    %dma_wait3A = tpu.memref_slice %arg2[%mul3A_2] : memref<512xi32, #tpu.memory_space<hbm>> -> memref<16xi32, #tpu.memory_space<hbm>>
    %dma_wait3A_7 = tpu.memref_slice %arg2[%mul3A_2] : memref<512xi32, #tpu.memory_space<hbm>> -> memref<16xi32, #tpu.memory_space<hbm>>
    tpu.wait_dma2 semaphore(%arg11 : memref<!tpu.dma_semaphore, #tpu.memory_space<semaphore_mem>>) src(%dma_wait3A_7 : memref<16xi32, #tpu.memory_space<hbm>>) dst(%arg6 : memref<16xi32, #tpu.memory_space<vmem>>)
    %dma_wait3A_8 = tpu.memref_slice %arg3[%mul3A_2] : memref<512xi32, #tpu.memory_space<hbm>> -> memref<16xi32, #tpu.memory_space<hbm>>
    %dma_wait3A_9 = tpu.memref_slice %arg3[%mul3A_2] : memref<512xi32, #tpu.memory_space<hbm>> -> memref<16xi32, #tpu.memory_space<hbm>>
    tpu.wait_dma2 semaphore(%arg12 : memref<!tpu.dma_semaphore, #tpu.memory_space<semaphore_mem>>) src(%dma_wait3A_9 : memref<16xi32, #tpu.memory_space<hbm>>) dst(%arg7 : memref<16xi32, #tpu.memory_space<vmem>>)
    %dma_start3A_10 = arith.constant 0 : i32
    %dma_start3A_11 = arith.constant 0 : i32
    %dma_start3A_12 = tpu.memref_slice %arg4[%dma_start3A_10, %dma_start3A_11] : memref<1000000x128xf32, #tpu.memory_space<hbm>> -> memref<1000000x128xf32, #tpu.memory_space<hbm>>
    tpu.enqueue_indirect_dma source(%dma_start3A_12 : memref<1000000x128xf32, #tpu.memory_space<hbm>>) target(%arg8 : memref<16x128xf32, #tpu.memory_space<vmem>>) offsets(%arg6 : memref<16xi32, #tpu.memory_space<vmem>>) semaphore(%arg11 : memref<!tpu.dma_semaphore, #tpu.memory_space<semaphore_mem>>)
    %dma_start3A_13 = arith.constant 0 : i32
    %dma_start3A_14 = arith.constant 0 : i32
    %dma_start3A_15 = tpu.memref_slice %arg4[%dma_start3A_13, %dma_start3A_14] : memref<1000000x128xf32, #tpu.memory_space<hbm>> -> memref<1000000x128xf32, #tpu.memory_space<hbm>>
    tpu.enqueue_indirect_dma source(%dma_start3A_15 : memref<1000000x128xf32, #tpu.memory_space<hbm>>) target(%arg9 : memref<16x128xf32, #tpu.memory_space<vmem>>) offsets(%arg7 : memref<16xi32, #tpu.memory_space<vmem>>) semaphore(%arg12 : memref<!tpu.dma_semaphore, #tpu.memory_space<semaphore_mem>>)
    %dma_wait3A_16 = arith.constant 0 : i32
    %dma_wait3A_17 = arith.constant 0 : i32
    %dma_wait3A_18 = tpu.memref_slice %arg4[%dma_wait3A_16, %dma_wait3A_17] : memref<1000000x128xf32, #tpu.memory_space<hbm>> -> memref<1000000x128xf32, #tpu.memory_space<hbm>>
    tpu.wait_indirect_dma semaphore(%arg11 : memref<!tpu.dma_semaphore, #tpu.memory_space<semaphore_mem>>) src(%dma_wait3A_18 : memref<1000000x128xf32, #tpu.memory_space<hbm>>) dst(%arg8 : memref<16x128xf32, #tpu.memory_space<vmem>>)
    %dma_wait3A_19 = arith.constant 0 : i32
    %dma_wait3A_20 = arith.constant 0 : i32
    %dma_wait3A_21 = tpu.memref_slice %arg4[%dma_wait3A_19, %dma_wait3A_20] : memref<1000000x128xf32, #tpu.memory_space<hbm>> -> memref<1000000x128xf32, #tpu.memory_space<hbm>>
    tpu.wait_indirect_dma semaphore(%arg12 : memref<!tpu.dma_semaphore, #tpu.memory_space<semaphore_mem>>) src(%dma_wait3A_21 : memref<1000000x128xf32, #tpu.memory_space<hbm>>) dst(%arg9 : memref<16x128xf32, #tpu.memory_space<vmem>>)
    %broadcast_in_dim3A_22 = arith.constant 0.000000e+00 : f32
    %broadcast_in_dim3A_23 = vector.broadcast %broadcast_in_dim3A_22 : f32 to vector<16xf32>
    %scan3A = arith.constant 0 : i32
    %scan3A_24 = arith.constant 8 : i32
    %scan3A_25 = arith.addi %scan3A, %scan3A_24 : i32
    %scan3A_26 = arith.constant 1 : i32
    %scan3A_27:3 = scf.for %scan3A_110 = %scan3A to %scan3A_25 step %scan3A_26 iter_args(%scan3A_111 = %broadcast_in_dim3A_23, %scan3A_112 = %broadcast_in_dim3A_23, %scan3A_113 = %broadcast_in_dim3A_23) -> (vector<16xf32>, vector<16xf32>, vector<16xf32>)  : i32 {
      %mul3A_114 = arith.constant 8 : i32
      %mul3A_115 = arith.muli %scan3A_110, %mul3A_114 : i32
      %add3A_116 = arith.constant 0 : i32
      %add3A_117 = arith.addi %mul3A_115, %add3A_116 : i32
      %add3A_118 = vector.broadcast %add3A_117 : i32 to vector<16xi32>
      %add3A_119 = arith.addi %broadcast_in_dim3A_6, %add3A_118 : vector<16xi32>
      %gather3A = tpu.vector_load_idx %arg8[%iota3A, %add3A_119] : memref<16x128xf32, #tpu.memory_space<vmem>>[vector<16xi32>, vector<16xi32>], vector<16xf32>,
      %add3A_120 = arith.constant 64 : i32
      %add3A_121 = vector.broadcast %add3A_120 : i32 to vector<16xi32>
      %add3A_122 = arith.addi %add3A_119, %add3A_121 : vector<16xi32>
      %gather3A_123 = tpu.vector_load_idx %arg8[%iota3A, %add3A_122] : memref<16x128xf32, #tpu.memory_space<vmem>>[vector<16xi32>, vector<16xi32>], vector<16xf32>,
      %gather3A_124 = tpu.vector_load_idx %arg9[%iota3A, %add3A_119] : memref<16x128xf32, #tpu.memory_space<vmem>>[vector<16xi32>, vector<16xi32>], vector<16xf32>,
      %add3A_125 = arith.constant 64 : i32
      %add3A_126 = vector.broadcast %add3A_125 : i32 to vector<16xi32>
      %add3A_127 = arith.addi %add3A_119, %add3A_126 : vector<16xi32>
      %gather3A_128 = tpu.vector_load_idx %arg9[%iota3A, %add3A_127] : memref<16x128xf32, #tpu.memory_space<vmem>>[vector<16xi32>, vector<16xi32>], vector<16xf32>,
      %sub3A_129 = arith.subf %gather3A_124, %gather3A : vector<16xf32>
      %max3A = arith.constant 0.000000e+00 : f32
      %max3A_130 = vector.broadcast %max3A : f32 to vector<16xf32>
      %max3A_131 = arith.maximumf %sub3A_129, %max3A_130 : vector<16xf32>
      %add3A_132 = arith.addf %gather3A, %gather3A_123 : vector<16xf32>
      %sub3A_133 = arith.subf %add3A_132, %gather3A_128 : vector<16xf32>
      %sub3A_134 = arith.subf %sub3A_133, %gather3A_124 : vector<16xf32>
      %max3A_135 = arith.constant 0.000000e+00 : f32
      %max3A_136 = vector.broadcast %max3A_135 : f32 to vector<16xf32>
      %max3A_137 = arith.maximumf %sub3A_134, %max3A_136 : vector<16xf32>
      %mul3A_138 = arith.mulf %max3A_131, %max3A_131 : vector<16xf32>
      %add3A_139 = arith.addf %scan3A_111, %mul3A_138 : vector<16xf32>
      %mul3A_140 = arith.mulf %max3A_137, %max3A_137 : vector<16xf32>
      %add3A_141 = arith.addf %scan3A_112, %mul3A_140 : vector<16xf32>
      %neg3A = arith.constant 0.000000e+00 : f32
      %neg3A_142 = vector.broadcast %neg3A : f32 to vector<16xf32>
      %neg3A_143 = arith.subf %neg3A_142, %gather3A_123 : vector<16xf32>
      %max3A_144 = arith.constant 0.000000e+00 : f32
      %max3A_145 = vector.broadcast %max3A_144 : f32 to vector<16xf32>
      %max3A_146 = arith.maximumf %neg3A_143, %max3A_145 : vector<16xf32>
      %add3A_147 = arith.addf %scan3A_113, %max3A_146 : vector<16xf32>
      %neg3A_148 = arith.constant 0.000000e+00 : f32
      %neg3A_149 = vector.broadcast %neg3A_148 : f32 to vector<16xf32>
      %neg3A_150 = arith.subf %neg3A_149, %gather3A_128 : vector<16xf32>
      %max3A_151 = arith.constant 0.000000e+00 : f32
      %max3A_152 = vector.broadcast %max3A_151 : f32 to vector<16xf32>
      %max3A_153 = arith.maximumf %neg3A_150, %max3A_152 : vector<16xf32>
      %add3A_154 = arith.addf %add3A_147, %max3A_153 : vector<16xf32>
      %mul3A_155 = arith.constant 8 : i32
      %mul3A_156 = arith.muli %scan3A_110, %mul3A_155 : i32
      %add3A_157 = arith.constant 1 : i32
      %add3A_158 = arith.addi %mul3A_156, %add3A_157 : i32
      %add3A_159 = vector.broadcast %add3A_158 : i32 to vector<16xi32>
      %add3A_160 = arith.addi %broadcast_in_dim3A_6, %add3A_159 : vector<16xi32>
      %gather3A_161 = tpu.vector_load_idx %arg8[%iota3A, %add3A_160] : memref<16x128xf32, #tpu.memory_space<vmem>>[vector<16xi32>, vector<16xi32>], vector<16xf32>,
      %add3A_162 = arith.constant 64 : i32
      %add3A_163 = vector.broadcast %add3A_162 : i32 to vector<16xi32>
      %add3A_164 = arith.addi %add3A_160, %add3A_163 : vector<16xi32>
      %gather3A_165 = tpu.vector_load_idx %arg8[%iota3A, %add3A_164] : memref<16x128xf32, #tpu.memory_space<vmem>>[vector<16xi32>, vector<16xi32>], vector<16xf32>,
      %gather3A_166 = tpu.vector_load_idx %arg9[%iota3A, %add3A_160] : memref<16x128xf32, #tpu.memory_space<vmem>>[vector<16xi32>, vector<16xi32>], vector<16xf32>,
      %add3A_167 = arith.constant 64 : i32
      %add3A_168 = vector.broadcast %add3A_167 : i32 to vector<16xi32>
      %add3A_169 = arith.addi %add3A_160, %add3A_168 : vector<16xi32>
      %gather3A_170 = tpu.vector_load_idx %arg9[%iota3A, %add3A_169] : memref<16x128xf32, #tpu.memory_space<vmem>>[vector<16xi32>, vector<16xi32>], vector<16xf32>,
      %sub3A_171 = arith.subf %gather3A_166, %gather3A_161 : vector<16xf32>
      %max3A_172 = arith.constant 0.000000e+00 : f32
      %max3A_173 = vector.broadcast %max3A_172 : f32 to vector<16xf32>
      %max3A_174 = arith.maximumf %sub3A_171, %max3A_173 : vector<16xf32>
      %add3A_175 = arith.addf %gather3A_161, %gather3A_165 : vector<16xf32>
      %sub3A_176 = arith.subf %add3A_175, %gather3A_170 : vector<16xf32>
      %sub3A_177 = arith.subf %sub3A_176, %gather3A_166 : vector<16xf32>
      %max3A_178 = arith.constant 0.000000e+00 : f32
      %max3A_179 = vector.broadcast %max3A_178 : f32 to vector<16xf32>
      %max3A_180 = arith.maximumf %sub3A_177, %max3A_179 : vector<16xf32>
      %mul3A_181 = arith.mulf %max3A_174, %max3A_174 : vector<16xf32>
      %add3A_182 = arith.addf %add3A_139, %mul3A_181 : vector<16xf32>
      %mul3A_183 = arith.mulf %max3A_180, %max3A_180 : vector<16xf32>
      %add3A_184 = arith.addf %add3A_141, %mul3A_183 : vector<16xf32>
      %neg3A_185 = arith.constant 0.000000e+00 : f32
      %neg3A_186 = vector.broadcast %neg3A_185 : f32 to vector<16xf32>
      %neg3A_187 = arith.subf %neg3A_186, %gather3A_165 : vector<16xf32>
      %max3A_188 = arith.constant 0.000000e+00 : f32
      %max3A_189 = vector.broadcast %max3A_188 : f32 to vector<16xf32>
      %max3A_190 = arith.maximumf %neg3A_187, %max3A_189 : vector<16xf32>
      %add3A_191 = arith.addf %add3A_154, %max3A_190 : vector<16xf32>
      %neg3A_192 = arith.constant 0.000000e+00 : f32
      %neg3A_193 = vector.broadcast %neg3A_192 : f32 to vector<16xf32>
      %neg3A_194 = arith.subf %neg3A_193, %gather3A_170 : vector<16xf32>
      %max3A_195 = arith.constant 0.000000e+00 : f32
      %max3A_196 = vector.broadcast %max3A_195 : f32 to vector<16xf32>
      %max3A_197 = arith.maximumf %neg3A_194, %max3A_196 : vector<16xf32>
      %add3A_198 = arith.addf %add3A_191, %max3A_197 : vector<16xf32>
      %mul3A_199 = arith.constant 8 : i32
      %mul3A_200 = arith.muli %scan3A_110, %mul3A_199 : i32
      %add3A_201 = arith.constant 2 : i32
      %add3A_202 = arith.addi %mul3A_200, %add3A_201 : i32
      %add3A_203 = vector.broadcast %add3A_202 : i32 to vector<16xi32>
      %add3A_204 = arith.addi %broadcast_in_dim3A_6, %add3A_203 : vector<16xi32>
      %gather3A_205 = tpu.vector_load_idx %arg8[%iota3A, %add3A_204] : memref<16x128xf32, #tpu.memory_space<vmem>>[vector<16xi32>, vector<16xi32>], vector<16xf32>,
      %add3A_206 = arith.constant 64 : i32
      %add3A_207 = vector.broadcast %add3A_206 : i32 to vector<16xi32>
      %add3A_208 = arith.addi %add3A_204, %add3A_207 : vector<16xi32>
      %gather3A_209 = tpu.vector_load_idx %arg8[%iota3A, %add3A_208] : memref<16x128xf32, #tpu.memory_space<vmem>>[vector<16xi32>, vector<16xi32>], vector<16xf32>,
      %gather3A_210 = tpu.vector_load_idx %arg9[%iota3A, %add3A_204] : memref<16x128xf32, #tpu.memory_space<vmem>>[vector<16xi32>, vector<16xi32>], vector<16xf32>,
      %add3A_211 = arith.constant 64 : i32
      %add3A_212 = vector.broadcast %add3A_211 : i32 to vector<16xi32>
      %add3A_213 = arith.addi %add3A_204, %add3A_212 : vector<16xi32>
      %gather3A_214 = tpu.vector_load_idx %arg9[%iota3A, %add3A_213] : memref<16x128xf32, #tpu.memory_space<vmem>>[vector<16xi32>, vector<16xi32>], vector<16xf32>,
      %sub3A_215 = arith.subf %gather3A_210, %gather3A_205 : vector<16xf32>
      %max3A_216 = arith.constant 0.000000e+00 : f32
      %max3A_217 = vector.broadcast %max3A_216 : f32 to vector<16xf32>
      %max3A_218 = arith.maximumf %sub3A_215, %max3A_217 : vector<16xf32>
      %add3A_219 = arith.addf %gather3A_205, %gather3A_209 : vector<16xf32>
      %sub3A_220 = arith.subf %add3A_219, %gather3A_214 : vector<16xf32>
      %sub3A_221 = arith.subf %sub3A_220, %gather3A_210 : vector<16xf32>
      %max3A_222 = arith.constant 0.000000e+00 : f32
      %max3A_223 = vector.broadcast %max3A_222 : f32 to vector<16xf32>
      %max3A_224 = arith.maximumf %sub3A_221, %max3A_223 : vector<16xf32>
      %mul3A_225 = arith.mulf %max3A_218, %max3A_218 : vector<16xf32>
      %add3A_226 = arith.addf %add3A_182, %mul3A_225 : vector<16xf32>
      %mul3A_227 = arith.mulf %max3A_224, %max3A_224 : vector<16xf32>
      %add3A_228 = arith.addf %add3A_184, %mul3A_227 : vector<16xf32>
      %neg3A_229 = arith.constant 0.000000e+00 : f32
      %neg3A_230 = vector.broadcast %neg3A_229 : f32 to vector<16xf32>
      %neg3A_231 = arith.subf %neg3A_230, %gather3A_209 : vector<16xf32>
      %max3A_232 = arith.constant 0.000000e+00 : f32
      %max3A_233 = vector.broadcast %max3A_232 : f32 to vector<16xf32>
      %max3A_234 = arith.maximumf %neg3A_231, %max3A_233 : vector<16xf32>
      %add3A_235 = arith.addf %add3A_198, %max3A_234 : vector<16xf32>
      %neg3A_236 = arith.constant 0.000000e+00 : f32
      %neg3A_237 = vector.broadcast %neg3A_236 : f32 to vector<16xf32>
      %neg3A_238 = arith.subf %neg3A_237, %gather3A_214 : vector<16xf32>
      %max3A_239 = arith.constant 0.000000e+00 : f32
      %max3A_240 = vector.broadcast %max3A_239 : f32 to vector<16xf32>
      %max3A_241 = arith.maximumf %neg3A_238, %max3A_240 : vector<16xf32>
      %add3A_242 = arith.addf %add3A_235, %max3A_241 : vector<16xf32>
      %mul3A_243 = arith.constant 8 : i32
      %mul3A_244 = arith.muli %scan3A_110, %mul3A_243 : i32
      %add3A_245 = arith.constant 3 : i32
      %add3A_246 = arith.addi %mul3A_244, %add3A_245 : i32
      %add3A_247 = vector.broadcast %add3A_246 : i32 to vector<16xi32>
      %add3A_248 = arith.addi %broadcast_in_dim3A_6, %add3A_247 : vector<16xi32>
      %gather3A_249 = tpu.vector_load_idx %arg8[%iota3A, %add3A_248] : memref<16x128xf32, #tpu.memory_space<vmem>>[vector<16xi32>, vector<16xi32>], vector<16xf32>,
      %add3A_250 = arith.constant 64 : i32
      %add3A_251 = vector.broadcast %add3A_250 : i32 to vector<16xi32>
      %add3A_252 = arith.addi %add3A_248, %add3A_251 : vector<16xi32>
      %gather3A_253 = tpu.vector_load_idx %arg8[%iota3A, %add3A_252] : memref<16x128xf32, #tpu.memory_space<vmem>>[vector<16xi32>, vector<16xi32>], vector<16xf32>,
      %gather3A_254 = tpu.vector_load_idx %arg9[%iota3A, %add3A_248] : memref<16x128xf32, #tpu.memory_space<vmem>>[vector<16xi32>, vector<16xi32>], vector<16xf32>,
      %add3A_255 = arith.constant 64 : i32
      %add3A_256 = vector.broadcast %add3A_255 : i32 to vector<16xi32>
      %add3A_257 = arith.addi %add3A_248, %add3A_256 : vector<16xi32>
      %gather3A_258 = tpu.vector_load_idx %arg9[%iota3A, %add3A_257] : memref<16x128xf32, #tpu.memory_space<vmem>>[vector<16xi32>, vector<16xi32>], vector<16xf32>,
      %sub3A_259 = arith.subf %gather3A_254, %gather3A_249 : vector<16xf32>
      %max3A_260 = arith.constant 0.000000e+00 : f32
      %max3A_261 = vector.broadcast %max3A_260 : f32 to vector<16xf32>
      %max3A_262 = arith.maximumf %sub3A_259, %max3A_261 : vector<16xf32>
      %add3A_263 = arith.addf %gather3A_249, %gather3A_253 : vector<16xf32>
      %sub3A_264 = arith.subf %add3A_263, %gather3A_258 : vector<16xf32>
      %sub3A_265 = arith.subf %sub3A_264, %gather3A_254 : vector<16xf32>
      %max3A_266 = arith.constant 0.000000e+00 : f32
      %max3A_267 = vector.broadcast %max3A_266 : f32 to vector<16xf32>
      %max3A_268 = arith.maximumf %sub3A_265, %max3A_267 : vector<16xf32>
      %mul3A_269 = arith.mulf %max3A_262, %max3A_262 : vector<16xf32>
      %add3A_270 = arith.addf %add3A_226, %mul3A_269 : vector<16xf32>
      %mul3A_271 = arith.mulf %max3A_268, %max3A_268 : vector<16xf32>
      %add3A_272 = arith.addf %add3A_228, %mul3A_271 : vector<16xf32>
      %neg3A_273 = arith.constant 0.000000e+00 : f32
      %neg3A_274 = vector.broadcast %neg3A_273 : f32 to vector<16xf32>
      %neg3A_275 = arith.subf %neg3A_274, %gather3A_253 : vector<16xf32>
      %max3A_276 = arith.constant 0.000000e+00 : f32
      %max3A_277 = vector.broadcast %max3A_276 : f32 to vector<16xf32>
      %max3A_278 = arith.maximumf %neg3A_275, %max3A_277 : vector<16xf32>
      %add3A_279 = arith.addf %add3A_242, %max3A_278 : vector<16xf32>
      %neg3A_280 = arith.constant 0.000000e+00 : f32
      %neg3A_281 = vector.broadcast %neg3A_280 : f32 to vector<16xf32>
      %neg3A_282 = arith.subf %neg3A_281, %gather3A_258 : vector<16xf32>
      %max3A_283 = arith.constant 0.000000e+00 : f32
      %max3A_284 = vector.broadcast %max3A_283 : f32 to vector<16xf32>
      %max3A_285 = arith.maximumf %neg3A_282, %max3A_284 : vector<16xf32>
      %add3A_286 = arith.addf %add3A_279, %max3A_285 : vector<16xf32>
      %mul3A_287 = arith.constant 8 : i32
      %mul3A_288 = arith.muli %scan3A_110, %mul3A_287 : i32
      %add3A_289 = arith.constant 4 : i32
      %add3A_290 = arith.addi %mul3A_288, %add3A_289 : i32
      %add3A_291 = vector.broadcast %add3A_290 : i32 to vector<16xi32>
      %add3A_292 = arith.addi %broadcast_in_dim3A_6, %add3A_291 : vector<16xi32>
      %gather3A_293 = tpu.vector_load_idx %arg8[%iota3A, %add3A_292] : memref<16x128xf32, #tpu.memory_space<vmem>>[vector<16xi32>, vector<16xi32>], vector<16xf32>,
      %add3A_294 = arith.constant 64 : i32
      %add3A_295 = vector.broadcast %add3A_294 : i32 to vector<16xi32>
      %add3A_296 = arith.addi %add3A_292, %add3A_295 : vector<16xi32>
      %gather3A_297 = tpu.vector_load_idx %arg8[%iota3A, %add3A_296] : memref<16x128xf32, #tpu.memory_space<vmem>>[vector<16xi32>, vector<16xi32>], vector<16xf32>,
      %gather3A_298 = tpu.vector_load_idx %arg9[%iota3A, %add3A_292] : memref<16x128xf32, #tpu.memory_space<vmem>>[vector<16xi32>, vector<16xi32>], vector<16xf32>,
      %add3A_299 = arith.constant 64 : i32
      %add3A_300 = vector.broadcast %add3A_299 : i32 to vector<16xi32>
      %add3A_301 = arith.addi %add3A_292, %add3A_300 : vector<16xi32>
      %gather3A_302 = tpu.vector_load_idx %arg9[%iota3A, %add3A_301] : memref<16x128xf32, #tpu.memory_space<vmem>>[vector<16xi32>, vector<16xi32>], vector<16xf32>,
      %sub3A_303 = arith.subf %gather3A_298, %gather3A_293 : vector<16xf32>
      %max3A_304 = arith.constant 0.000000e+00 : f32
      %max3A_305 = vector.broadcast %max3A_304 : f32 to vector<16xf32>
      %max3A_306 = arith.maximumf %sub3A_303, %max3A_305 : vector<16xf32>
      %add3A_307 = arith.addf %gather3A_293, %gather3A_297 : vector<16xf32>
      %sub3A_308 = arith.subf %add3A_307, %gather3A_302 : vector<16xf32>
      %sub3A_309 = arith.subf %sub3A_308, %gather3A_298 : vector<16xf32>
      %max3A_310 = arith.constant 0.000000e+00 : f32
      %max3A_311 = vector.broadcast %max3A_310 : f32 to vector<16xf32>
      %max3A_312 = arith.maximumf %sub3A_309, %max3A_311 : vector<16xf32>
      %mul3A_313 = arith.mulf %max3A_306, %max3A_306 : vector<16xf32>
      %add3A_314 = arith.addf %add3A_270, %mul3A_313 : vector<16xf32>
      %mul3A_315 = arith.mulf %max3A_312, %max3A_312 : vector<16xf32>
      %add3A_316 = arith.addf %add3A_272, %mul3A_315 : vector<16xf32>
      %neg3A_317 = arith.constant 0.000000e+00 : f32
      %neg3A_318 = vector.broadcast %neg3A_317 : f32 to vector<16xf32>
      %neg3A_319 = arith.subf %neg3A_318, %gather3A_297 : vector<16xf32>
      %max3A_320 = arith.constant 0.000000e+00 : f32
      %max3A_321 = vector.broadcast %max3A_320 : f32 to vector<16xf32>
      %max3A_322 = arith.maximumf %neg3A_319, %max3A_321 : vector<16xf32>
      %add3A_323 = arith.addf %add3A_286, %max3A_322 : vector<16xf32>
      %neg3A_324 = arith.constant 0.000000e+00 : f32
      %neg3A_325 = vector.broadcast %neg3A_324 : f32 to vector<16xf32>
      %neg3A_326 = arith.subf %neg3A_325, %gather3A_302 : vector<16xf32>
      %max3A_327 = arith.constant 0.000000e+00 : f32
      %max3A_328 = vector.broadcast %max3A_327 : f32 to vector<16xf32>
      %max3A_329 = arith.maximumf %neg3A_326, %max3A_328 : vector<16xf32>
      %add3A_330 = arith.addf %add3A_323, %max3A_329 : vector<16xf32>
      %mul3A_331 = arith.constant 8 : i32
      %mul3A_332 = arith.muli %scan3A_110, %mul3A_331 : i32
      %add3A_333 = arith.constant 5 : i32
      %add3A_334 = arith.addi %mul3A_332, %add3A_333 : i32
      %add3A_335 = vector.broadcast %add3A_334 : i32 to vector<16xi32>
      %add3A_336 = arith.addi %broadcast_in_dim3A_6, %add3A_335 : vector<16xi32>
      %gather3A_337 = tpu.vector_load_idx %arg8[%iota3A, %add3A_336] : memref<16x128xf32, #tpu.memory_space<vmem>>[vector<16xi32>, vector<16xi32>], vector<16xf32>,
      %add3A_338 = arith.constant 64 : i32
      %add3A_339 = vector.broadcast %add3A_338 : i32 to vector<16xi32>
      %add3A_340 = arith.addi %add3A_336, %add3A_339 : vector<16xi32>
      %gather3A_341 = tpu.vector_load_idx %arg8[%iota3A, %add3A_340] : memref<16x128xf32, #tpu.memory_space<vmem>>[vector<16xi32>, vector<16xi32>], vector<16xf32>,
      %gather3A_342 = tpu.vector_load_idx %arg9[%iota3A, %add3A_336] : memref<16x128xf32, #tpu.memory_space<vmem>>[vector<16xi32>, vector<16xi32>], vector<16xf32>,
      %add3A_343 = arith.constant 64 : i32
      %add3A_344 = vector.broadcast %add3A_343 : i32 to vector<16xi32>
      %add3A_345 = arith.addi %add3A_336, %add3A_344 : vector<16xi32>
      %gather3A_346 = tpu.vector_load_idx %arg9[%iota3A, %add3A_345] : memref<16x128xf32, #tpu.memory_space<vmem>>[vector<16xi32>, vector<16xi32>], vector<16xf32>,
      %sub3A_347 = arith.subf %gather3A_342, %gather3A_337 : vector<16xf32>
      %max3A_348 = arith.constant 0.000000e+00 : f32
      %max3A_349 = vector.broadcast %max3A_348 : f32 to vector<16xf32>
      %max3A_350 = arith.maximumf %sub3A_347, %max3A_349 : vector<16xf32>
      %add3A_351 = arith.addf %gather3A_337, %gather3A_341 : vector<16xf32>
      %sub3A_352 = arith.subf %add3A_351, %gather3A_346 : vector<16xf32>
      %sub3A_353 = arith.subf %sub3A_352, %gather3A_342 : vector<16xf32>
      %max3A_354 = arith.constant 0.000000e+00 : f32
      %max3A_355 = vector.broadcast %max3A_354 : f32 to vector<16xf32>
      %max3A_356 = arith.maximumf %sub3A_353, %max3A_355 : vector<16xf32>
      %mul3A_357 = arith.mulf %max3A_350, %max3A_350 : vector<16xf32>
      %add3A_358 = arith.addf %add3A_314, %mul3A_357 : vector<16xf32>
      %mul3A_359 = arith.mulf %max3A_356, %max3A_356 : vector<16xf32>
      %add3A_360 = arith.addf %add3A_316, %mul3A_359 : vector<16xf32>
      %neg3A_361 = arith.constant 0.000000e+00 : f32
      %neg3A_362 = vector.broadcast %neg3A_361 : f32 to vector<16xf32>
      %neg3A_363 = arith.subf %neg3A_362, %gather3A_341 : vector<16xf32>
      %max3A_364 = arith.constant 0.000000e+00 : f32
      %max3A_365 = vector.broadcast %max3A_364 : f32 to vector<16xf32>
      %max3A_366 = arith.maximumf %neg3A_363, %max3A_365 : vector<16xf32>
      %add3A_367 = arith.addf %add3A_330, %max3A_366 : vector<16xf32>
      %neg3A_368 = arith.constant 0.000000e+00 : f32
      %neg3A_369 = vector.broadcast %neg3A_368 : f32 to vector<16xf32>
      %neg3A_370 = arith.subf %neg3A_369, %gather3A_346 : vector<16xf32>
      %max3A_371 = arith.constant 0.000000e+00 : f32
      %max3A_372 = vector.broadcast %max3A_371 : f32 to vector<16xf32>
      %max3A_373 = arith.maximumf %neg3A_370, %max3A_372 : vector<16xf32>
      %add3A_374 = arith.addf %add3A_367, %max3A_373 : vector<16xf32>
      %mul3A_375 = arith.constant 8 : i32
      %mul3A_376 = arith.muli %scan3A_110, %mul3A_375 : i32
      %add3A_377 = arith.constant 6 : i32
      %add3A_378 = arith.addi %mul3A_376, %add3A_377 : i32
      %add3A_379 = vector.broadcast %add3A_378 : i32 to vector<16xi32>
      %add3A_380 = arith.addi %broadcast_in_dim3A_6, %add3A_379 : vector<16xi32>
      %gather3A_381 = tpu.vector_load_idx %arg8[%iota3A, %add3A_380] : memref<16x128xf32, #tpu.memory_space<vmem>>[vector<16xi32>, vector<16xi32>], vector<16xf32>,
      %add3A_382 = arith.constant 64 : i32
      %add3A_383 = vector.broadcast %add3A_382 : i32 to vector<16xi32>
      %add3A_384 = arith.addi %add3A_380, %add3A_383 : vector<16xi32>
      %gather3A_385 = tpu.vector_load_idx %arg8[%iota3A, %add3A_384] : memref<16x128xf32, #tpu.memory_space<vmem>>[vector<16xi32>, vector<16xi32>], vector<16xf32>,
      %gather3A_386 = tpu.vector_load_idx %arg9[%iota3A, %add3A_380] : memref<16x128xf32, #tpu.memory_space<vmem>>[vector<16xi32>, vector<16xi32>], vector<16xf32>,
      %add3A_387 = arith.constant 64 : i32
      %add3A_388 = vector.broadcast %add3A_387 : i32 to vector<16xi32>
      %add3A_389 = arith.addi %add3A_380, %add3A_388 : vector<16xi32>
      %gather3A_390 = tpu.vector_load_idx %arg9[%iota3A, %add3A_389] : memref<16x128xf32, #tpu.memory_space<vmem>>[vector<16xi32>, vector<16xi32>], vector<16xf32>,
      %sub3A_391 = arith.subf %gather3A_386, %gather3A_381 : vector<16xf32>
      %max3A_392 = arith.constant 0.000000e+00 : f32
      %max3A_393 = vector.broadcast %max3A_392 : f32 to vector<16xf32>
      %max3A_394 = arith.maximumf %sub3A_391, %max3A_393 : vector<16xf32>
      %add3A_395 = arith.addf %gather3A_381, %gather3A_385 : vector<16xf32>
      %sub3A_396 = arith.subf %add3A_395, %gather3A_390 : vector<16xf32>
      %sub3A_397 = arith.subf %sub3A_396, %gather3A_386 : vector<16xf32>
      %max3A_398 = arith.constant 0.000000e+00 : f32
      %max3A_399 = vector.broadcast %max3A_398 : f32 to vector<16xf32>
      %max3A_400 = arith.maximumf %sub3A_397, %max3A_399 : vector<16xf32>
      %mul3A_401 = arith.mulf %max3A_394, %max3A_394 : vector<16xf32>
      %add3A_402 = arith.addf %add3A_358, %mul3A_401 : vector<16xf32>
      %mul3A_403 = arith.mulf %max3A_400, %max3A_400 : vector<16xf32>
      %add3A_404 = arith.addf %add3A_360, %mul3A_403 : vector<16xf32>
      %neg3A_405 = arith.constant 0.000000e+00 : f32
      %neg3A_406 = vector.broadcast %neg3A_405 : f32 to vector<16xf32>
      %neg3A_407 = arith.subf %neg3A_406, %gather3A_385 : vector<16xf32>
      %max3A_408 = arith.constant 0.000000e+00 : f32
      %max3A_409 = vector.broadcast %max3A_408 : f32 to vector<16xf32>
      %max3A_410 = arith.maximumf %neg3A_407, %max3A_409 : vector<16xf32>
      %add3A_411 = arith.addf %add3A_374, %max3A_410 : vector<16xf32>
      %neg3A_412 = arith.constant 0.000000e+00 : f32
      %neg3A_413 = vector.broadcast %neg3A_412 : f32 to vector<16xf32>
      %neg3A_414 = arith.subf %neg3A_413, %gather3A_390 : vector<16xf32>
      %max3A_415 = arith.constant 0.000000e+00 : f32
      %max3A_416 = vector.broadcast %max3A_415 : f32 to vector<16xf32>
      %max3A_417 = arith.maximumf %neg3A_414, %max3A_416 : vector<16xf32>
      %add3A_418 = arith.addf %add3A_411, %max3A_417 : vector<16xf32>
      %mul3A_419 = arith.constant 8 : i32
      %mul3A_420 = arith.muli %scan3A_110, %mul3A_419 : i32
      %add3A_421 = arith.constant 7 : i32
      %add3A_422 = arith.addi %mul3A_420, %add3A_421 : i32
      %add3A_423 = vector.broadcast %add3A_422 : i32 to vector<16xi32>
      %add3A_424 = arith.addi %broadcast_in_dim3A_6, %add3A_423 : vector<16xi32>
      %gather3A_425 = tpu.vector_load_idx %arg8[%iota3A, %add3A_424] : memref<16x128xf32, #tpu.memory_space<vmem>>[vector<16xi32>, vector<16xi32>], vector<16xf32>,
      %add3A_426 = arith.constant 64 : i32
      %add3A_427 = vector.broadcast %add3A_426 : i32 to vector<16xi32>
      %add3A_428 = arith.addi %add3A_424, %add3A_427 : vector<16xi32>
      %gather3A_429 = tpu.vector_load_idx %arg8[%iota3A, %add3A_428] : memref<16x128xf32, #tpu.memory_space<vmem>>[vector<16xi32>, vector<16xi32>], vector<16xf32>,
      %gather3A_430 = tpu.vector_load_idx %arg9[%iota3A, %add3A_424] : memref<16x128xf32, #tpu.memory_space<vmem>>[vector<16xi32>, vector<16xi32>], vector<16xf32>,
      %add3A_431 = arith.constant 64 : i32
      %add3A_432 = vector.broadcast %add3A_431 : i32 to vector<16xi32>
      %add3A_433 = arith.addi %add3A_424, %add3A_432 : vector<16xi32>
      %gather3A_434 = tpu.vector_load_idx %arg9[%iota3A, %add3A_433] : memref<16x128xf32, #tpu.memory_space<vmem>>[vector<16xi32>, vector<16xi32>], vector<16xf32>,
      %sub3A_435 = arith.subf %gather3A_430, %gather3A_425 : vector<16xf32>
      %max3A_436 = arith.constant 0.000000e+00 : f32
      %max3A_437 = vector.broadcast %max3A_436 : f32 to vector<16xf32>
      %max3A_438 = arith.maximumf %sub3A_435, %max3A_437 : vector<16xf32>
      %add3A_439 = arith.addf %gather3A_425, %gather3A_429 : vector<16xf32>
      %sub3A_440 = arith.subf %add3A_439, %gather3A_434 : vector<16xf32>
      %sub3A_441 = arith.subf %sub3A_440, %gather3A_430 : vector<16xf32>
      %max3A_442 = arith.constant 0.000000e+00 : f32
      %max3A_443 = vector.broadcast %max3A_442 : f32 to vector<16xf32>
      %max3A_444 = arith.maximumf %sub3A_441, %max3A_443 : vector<16xf32>
      %mul3A_445 = arith.mulf %max3A_438, %max3A_438 : vector<16xf32>
      %add3A_446 = arith.addf %add3A_402, %mul3A_445 : vector<16xf32>
      %mul3A_447 = arith.mulf %max3A_444, %max3A_444 : vector<16xf32>
      %add3A_448 = arith.addf %add3A_404, %mul3A_447 : vector<16xf32>
      %neg3A_449 = arith.constant 0.000000e+00 : f32
      %neg3A_450 = vector.broadcast %neg3A_449 : f32 to vector<16xf32>
      %neg3A_451 = arith.subf %neg3A_450, %gather3A_429 : vector<16xf32>
      %max3A_452 = arith.constant 0.000000e+00 : f32
      %max3A_453 = vector.broadcast %max3A_452 : f32 to vector<16xf32>
      %max3A_454 = arith.maximumf %neg3A_451, %max3A_453 : vector<16xf32>
      %add3A_455 = arith.addf %add3A_418, %max3A_454 : vector<16xf32>
      %neg3A_456 = arith.constant 0.000000e+00 : f32
      %neg3A_457 = vector.broadcast %neg3A_456 : f32 to vector<16xf32>
      %neg3A_458 = arith.subf %neg3A_457, %gather3A_434 : vector<16xf32>
      %max3A_459 = arith.constant 0.000000e+00 : f32
      %max3A_460 = vector.broadcast %max3A_459 : f32 to vector<16xf32>
      %max3A_461 = arith.maximumf %neg3A_458, %max3A_460 : vector<16xf32>
      %add3A_462 = arith.addf %add3A_455, %max3A_461 : vector<16xf32>
      scf.yield %add3A_446, %add3A_448, %add3A_462 : vector<16xf32>, vector<16xf32>, vector<16xf32>
    }
    %scan3A_28 = arith.constant 8 : i32
    %bitcast3A = vector.bitcast %scan3A_27#0 : vector<16xf32> to vector<16xi32>
    %broadcast_in_dim3A_29 = arith.constant 1 : i32
    %broadcast_in_dim3A_30 = vector.broadcast %broadcast_in_dim3A_29 : i32 to vector<16xi32>
    %shift_right_logical3A = arith.shrui %bitcast3A, %broadcast_in_dim3A_30 : vector<16xi32>
    %sub3A = arith.constant 1597463007 : i32
    %sub3A_31 = vector.broadcast %sub3A : i32 to vector<16xi32>
    %sub3A_32 = arith.subi %sub3A_31, %shift_right_logical3A : vector<16xi32>
    %bitcast3A_33 = vector.bitcast %sub3A_32 : vector<16xi32> to vector<16xf32>
    %mul3A_34 = arith.constant 5.000000e-01 : f32
    %mul3A_35 = vector.broadcast %mul3A_34 : f32 to vector<16xf32>
    %mul3A_36 = arith.mulf %mul3A_35, %scan3A_27#0 : vector<16xf32>
    %mul3A_37 = arith.mulf %mul3A_36, %bitcast3A_33 : vector<16xf32>
    %mul3A_38 = arith.mulf %mul3A_37, %bitcast3A_33 : vector<16xf32>
    %sub3A_39 = arith.constant 1.500000e+00 : f32
    %sub3A_40 = vector.broadcast %sub3A_39 : f32 to vector<16xf32>
    %sub3A_41 = arith.subf %sub3A_40, %mul3A_38 : vector<16xf32>
    %mul3A_42 = arith.mulf %bitcast3A_33, %sub3A_41 : vector<16xf32>
    %mul3A_43 = arith.constant 5.000000e-01 : f32
    %mul3A_44 = vector.broadcast %mul3A_43 : f32 to vector<16xf32>
    %mul3A_45 = arith.mulf %mul3A_44, %scan3A_27#0 : vector<16xf32>
    %mul3A_46 = arith.mulf %mul3A_45, %mul3A_42 : vector<16xf32>
    %mul3A_47 = arith.mulf %mul3A_46, %mul3A_42 : vector<16xf32>
    %sub3A_48 = arith.constant 1.500000e+00 : f32
    %sub3A_49 = vector.broadcast %sub3A_48 : f32 to vector<16xf32>
    %sub3A_50 = arith.subf %sub3A_49, %mul3A_47 : vector<16xf32>
    %mul3A_51 = arith.mulf %mul3A_42, %sub3A_50 : vector<16xf32>
    %mul3A_52 = arith.constant 5.000000e-01 : f32
    %mul3A_53 = vector.broadcast %mul3A_52 : f32 to vector<16xf32>
    %mul3A_54 = arith.mulf %mul3A_53, %scan3A_27#0 : vector<16xf32>
    %mul3A_55 = arith.mulf %mul3A_54, %mul3A_51 : vector<16xf32>
    %mul3A_56 = arith.mulf %mul3A_55, %mul3A_51 : vector<16xf32>
    %sub3A_57 = arith.constant 1.500000e+00 : f32
    %sub3A_58 = vector.broadcast %sub3A_57 : f32 to vector<16xf32>
    %sub3A_59 = arith.subf %sub3A_58, %mul3A_56 : vector<16xf32>
    %mul3A_60 = arith.mulf %mul3A_51, %sub3A_59 : vector<16xf32>
    %gt3A = arith.constant 0.000000e+00 : f32
    %gt3A_61 = vector.broadcast %gt3A : f32 to vector<16xf32>
    %gt3A_62 = arith.cmpf ogt, %scan3A_27#0, %gt3A_61 : vector<16xf32>
    %mul3A_63 = arith.mulf %scan3A_27#0, %mul3A_60 : vector<16xf32>
    %jit3A = arith.constant 0.000000e+00 : f32
    %broadcast_in_dim3A_64 = vector.broadcast %jit3A : f32 to vector<16xf32>
    %select_n3A = arith.select %gt3A_62, %mul3A_63, %broadcast_in_dim3A_64 : vector<16xi1>, vector<16xf32>
    %bitcast3A_65 = vector.bitcast %scan3A_27#1 : vector<16xf32> to vector<16xi32>
    %broadcast_in_dim3A_66 = arith.constant 1 : i32
    %broadcast_in_dim3A_67 = vector.broadcast %broadcast_in_dim3A_66 : i32 to vector<16xi32>
    %shift_right_logical3A_68 = arith.shrui %bitcast3A_65, %broadcast_in_dim3A_67 : vector<16xi32>
    %sub3A_69 = arith.constant 1597463007 : i32
    %sub3A_70 = vector.broadcast %sub3A_69 : i32 to vector<16xi32>
    %sub3A_71 = arith.subi %sub3A_70, %shift_right_logical3A_68 : vector<16xi32>
    %bitcast3A_72 = vector.bitcast %sub3A_71 : vector<16xi32> to vector<16xf32>
    %mul3A_73 = arith.constant 5.000000e-01 : f32
    %mul3A_74 = vector.broadcast %mul3A_73 : f32 to vector<16xf32>
    %mul3A_75 = arith.mulf %mul3A_74, %scan3A_27#1 : vector<16xf32>
    %mul3A_76 = arith.mulf %mul3A_75, %bitcast3A_72 : vector<16xf32>
    %mul3A_77 = arith.mulf %mul3A_76, %bitcast3A_72 : vector<16xf32>
    %sub3A_78 = arith.constant 1.500000e+00 : f32
    %sub3A_79 = vector.broadcast %sub3A_78 : f32 to vector<16xf32>
    %sub3A_80 = arith.subf %sub3A_79, %mul3A_77 : vector<16xf32>
    %mul3A_81 = arith.mulf %bitcast3A_72, %sub3A_80 : vector<16xf32>
    %mul3A_82 = arith.constant 5.000000e-01 : f32
    %mul3A_83 = vector.broadcast %mul3A_82 : f32 to vector<16xf32>
    %mul3A_84 = arith.mulf %mul3A_83, %scan3A_27#1 : vector<16xf32>
    %mul3A_85 = arith.mulf %mul3A_84, %mul3A_81 : vector<16xf32>
    %mul3A_86 = arith.mulf %mul3A_85, %mul3A_81 : vector<16xf32>
    %sub3A_87 = arith.constant 1.500000e+00 : f32
    %sub3A_88 = vector.broadcast %sub3A_87 : f32 to vector<16xf32>
    %sub3A_89 = arith.subf %sub3A_88, %mul3A_86 : vector<16xf32>
    %mul3A_90 = arith.mulf %mul3A_81, %sub3A_89 : vector<16xf32>
    %mul3A_91 = arith.constant 5.000000e-01 : f32
    %mul3A_92 = vector.broadcast %mul3A_91 : f32 to vector<16xf32>
    %mul3A_93 = arith.mulf %mul3A_92, %scan3A_27#1 : vector<16xf32>
    %mul3A_94 = arith.mulf %mul3A_93, %mul3A_90 : vector<16xf32>
    %mul3A_95 = arith.mulf %mul3A_94, %mul3A_90 : vector<16xf32>
    %sub3A_96 = arith.constant 1.500000e+00 : f32
    %sub3A_97 = vector.broadcast %sub3A_96 : f32 to vector<16xf32>
    %sub3A_98 = arith.subf %sub3A_97, %mul3A_95 : vector<16xf32>
    %mul3A_99 = arith.mulf %mul3A_90, %sub3A_98 : vector<16xf32>
    %gt3A_100 = arith.constant 0.000000e+00 : f32
    %gt3A_101 = vector.broadcast %gt3A_100 : f32 to vector<16xf32>
    %gt3A_102 = arith.cmpf ogt, %scan3A_27#1, %gt3A_101 : vector<16xf32>
    %mul3A_103 = arith.mulf %scan3A_27#1, %mul3A_99 : vector<16xf32>
    %jit3A_104 = arith.constant 0.000000e+00 : f32
    %broadcast_in_dim3A_105 = vector.broadcast %jit3A_104 : f32 to vector<16xf32>
    %select_n3A_106 = arith.select %gt3A_102, %mul3A_103, %broadcast_in_dim3A_105 : vector<16xi1>, vector<16xf32>
    %add3A_107 = arith.addf %select_n3A, %select_n3A_106 : vector<16xf32>
    %add3A_108 = arith.addf %add3A_107, %scan3A_27#2 : vector<16xf32>
    %swap3A = arith.constant 0 : index
    %swap3A_109 = tpu.vector_load %arg10[%swap3A] {strides = array<i32>} : memref<16xf32, #tpu.memory_space<vmem>>, vector<16xf32>,
    tpu.vector_store %arg10[%swap3A], %add3A_108 {strides = array<i32>} : memref<16xf32, #tpu.memory_space<vmem>>, vector<16xf32>,
    "tpu.region"() ({
      %run_scoped3A = tpu.sem_alloc : memref<!tpu.dma_semaphore, #tpu.memory_space<semaphore_mem>>
      %dma_start3A_110 = tpu.memref_slice %arg5[%mul3A_2] : memref<512xf32, #tpu.memory_space<hbm>> -> memref<16xf32, #tpu.memory_space<hbm>>
      %dma_start3A_111 = tpu.memref_slice %arg5[%mul3A_2] : memref<512xf32, #tpu.memory_space<hbm>> -> memref<16xf32, #tpu.memory_space<hbm>>
      tpu.enqueue_dma source(%arg10 : memref<16xf32, #tpu.memory_space<vmem>>) target(%dma_start3A_111 : memref<16xf32, #tpu.memory_space<hbm>>) target_semaphore(%run_scoped3A : memref<!tpu.dma_semaphore, #tpu.memory_space<semaphore_mem>>)
      %dma_wait3A_112 = tpu.memref_slice %arg5[%mul3A_2] : memref<512xf32, #tpu.memory_space<hbm>> -> memref<16xf32, #tpu.memory_space<hbm>>
      %dma_wait3A_113 = tpu.memref_slice %arg5[%mul3A_2] : memref<512xf32, #tpu.memory_space<hbm>> -> memref<16xf32, #tpu.memory_space<hbm>>
      tpu.wait_dma2 semaphore(%run_scoped3A : memref<!tpu.dma_semaphore, #tpu.memory_space<semaphore_mem>>) src(%arg10 : memref<16xf32, #tpu.memory_space<vmem>>) dst(%dma_wait3A_113 : memref<16xf32, #tpu.memory_space<hbm>>)
      tpu.yield
    }) : () -> ()
    return
  }
}

</mosaic_0001>

<sc_bundles>
// kernel: wrapper.3.cloned.1.call-start
scs
__scs_entry_jumppad:
0x0: {  	(pc) =	sbr.rel $0x88, $3  }
0x1: {  	(tag) =	ssettag $0x0;
	lr =	simm.s32 $0x1  }
0x2: {  	[smem:$0x3F9E] =	sst lr;
	_ =	strace $0xD0000000  }
0x3: {  	_ = 	snop  }
0x4: {  	_ = 	snop  }
0x5: {  	_ = 	snop  }
0x6: {  	_ = 	snop  }
0x7: {  	_ = 	snop  }
__scs_overlays_trampoline_lowered:
0x8: {  	[smem:$0x3FAD] =	sst s0  }
0x9: {  	[smem:$0x3FAE] =	sst s1  }
0xa: {  	[smem:$0x3FAF] =	sst s2  }
0xb: {  	[smem:$0x3FB0] =	sst s3  }
0xc: {  	[smem:$0x3FB1] =	sst s4  }
0xd: {  	[smem:$0x3FB2] =	sst s5  }
0xe: {  	[smem:$0x3FB3] =	sst s6  }
0xf: {  	[smem:$0x3FB4] =	sst s7  }
0x10: {  	[smem:$0x3FB5] =	sst s8  }
0x11: {  	[smem:$0x3FB6] =	sst s9;
	s0 =	simm.s32 @!p0 $0x0  }
0x12: {  	s1 =	sld [smem:$0x3F9C];
	s0 =	simm.s32 @p0 $0x1  }
0x13: {  	[smem:$0x3FB7] =	sst s0;
	s0 =	simm.s32 @!p1 $0x0  }
0x14: {  	s2 =	sld [smem:$0x3F9B];
	s0 =	simm.s32 @p1 $0x1  }
0x15: {  	[smem:$0x3FB8] =	sst s0;
	s0 =	simm.s32 @!p2 $0x0  }
0x16: {  	s3 =	sld [smem:$0x3FDB];
	s0 =	simm.s32 @p2 $0x1  }
0x17: {  	s4 =	simm.s32 $0x1BF5;
	[smem:$0x3FBA] =	sst s0  }
0x18: {  	s0 =	sld [smem:$0x3F9D];
	_ =	swait.ge [sflag:s4], $0x0  }
0x19: {  	s7 =	sld [smem:$0x3F9E]  }
0x1a: {  	s8 =	sadd.s32 $0xFFFFE003, lr  }
0x1b: {  	s9 =	sadd.s32 $0xFFFFFEF7, lr;
	s5 =	simm.s32 $0xFFFFFFFF;
	p2 =	slt.u32 s8, $0xFFFFF086  }
0x1c: {  	p1 =	slt.u32 s9, $0xF7A;
	s5 =	simm.s32 @!p2 $0x0  }
0x1d: {  	s5 =	simm.s32 @p1 $0x1;
	p0 =	seq.s32 s7, s2  }
0x1e: {  	s7 =	smul.u32 @!p0 $0xF7A, s2;
	p2 =	seq.s32 @!p0 s5, $0x0  }
0x1f: {  	s9 =	smul.u32 $0xF7A, s1;
	s8 =	simm.s32 @!p0 $0x1BF5;
	p2 =	por !p2, p0  }
0x20: {  	[sflag:s8] =	ssyncset.s32 @!p0 $0xFFFFF086;
	s6 =	sadd.s32 @!p0 s3, s7;
	s7 =	simm.s32 @!p0 $0x108  }
0x21: {  	s3 =	sadd.s32 s3, s9;
	s6 =	sadd.s32 @!p0 $0x88, s6;
	s7 =	simm.s32 @p2 $0x1082  }
0x22: {  	[simem:s7], [sflag:s8] =	dma.local @!p0 [hbm:s6], $0xF7A  }
0x23: {  	s9 =	sor.u32 $0xD0000000, s2;
	s6 =	simm.s32 $0x108;
	_ =	swait.ge @!p0 [sflag:s8], $0x0  }
0x24: {  	s3 =	sadd.s32 $0x88, s3;
	s6 =	simm.s32 @!p1 $0x1082;
	[sflag:s4] =	ssyncset.s32 $0xFFFFF086  }
0x25: {  	[simem:s6], [sflag:s4] =	dma.local [hbm:s3], $0xF7A  }
0x26: {  	[smem:$0x3F9E] =	sst s1;
	(tag) =	ssettag s2;
	_ =	strace s9  }
0x27: {  	s1 =	sld [smem:$0x3FAE]  }
0x28: {  	s2 =	sld [smem:$0x3FAF]  }
0x29: {  	s4 =	sld [smem:$0x3FB1]  }
0x2a: {  	p0 =	seq.s32 s5, $0x0;
	s5 =	sld [smem:$0x3FB2]  }
0x2b: {  	s6 =	sld [smem:$0x3FB3]  }
0x2c: {  	s7 =	sld [smem:$0x3FB4]  }
0x2d: {  	s3 =	simm.s32 $0x108;
	s8 =	sld [smem:$0x3FB5]  }
0x2e: {  	s3 =	simm.s32 @!p0 $0x1082;
	s9 =	sld [smem:$0x3FB6]  }
0x2f: {  	lr =	sadd.s32 s0, s3;
	s0 =	sld [smem:$0x3FAD]  }
0x30: {  	s3 =	sld [smem:$0x3FB0]  }
0x31: {  	[smem:$0x3FB9] =	sst s10  }
0x32: {  	s10 =	sld [smem:$0x3FB7];
	_ =	sdelay $0x3  }
0x33: {  	p0 =	seq.s32 s10, $0x1;
	s10 =	sld [smem:$0x3FB9];
	_ =	sdelay $0x3  }
0x34: {  	[smem:$0x3FB9] =	sst s10  }
0x35: {  	s10 =	sld [smem:$0x3FB8];
	_ =	sdelay $0x3  }
0x36: {  	p1 =	seq.s32 s10, $0x1;
	s10 =	sld [smem:$0x3FB9];
	_ =	sdelay $0x3  }
0x37: {  	[smem:$0x3FB9] =	sst s10  }
0x38: {  	s10 =	sld [smem:$0x3FBA]  }
0x39: {  	_ = 	snop;
	(pc) =	sbr.ind lr, $3  }
0x3a: {  	_ = 	snop  }
0x3b: {  	_ = 	snop  }
0x3c: {  	p2 =	seq.s32 s10, $0x1;
	s10 =	sld [smem:$0x3FB9]  }
0x3d: {  	_ =	shalt  }
0x3e: {  	_ =	shalt  }
0x3f: {  	_ =	shalt  }
0x40: {  	_ =	shalt  }
0x41: {  	_ =	shalt  }
0x42: {  	_ =	shalt  }
0x43: {  	_ =	shalt  }
0x44: {  	_ =	shalt  }
0x45: {  	_ =	shalt  }
0x46: {  	_ =	shalt  }
0x47: {  	_ =	shalt  }
0x48: {  	_ =	shalt  }
0x49: {  	_ =	shalt  }
0x4a: {  	_ =	shalt  }
0x4b: {  	_ =	shalt  }
0x4c: {  	_ =	shalt  }
0x4d: {  	_ =	shalt  }
0x4e: {  	_ =	shalt  }
0x4f: {  	_ =	shalt  }
0x50: {  	_ =	shalt  }
0x51: {  	_ =	shalt  }
0x52: {  	_ =	shalt  }
0x53: {  	_ =	shalt  }
0x54: {  	_ =	shalt  }
0x55: {  	_ =	shalt  }
0x56: {  	_ =	shalt  }
0x57: {  	_ =	shalt  }
0x58: {  	_ =	shalt  }
0x59: {  	_ =	shalt  }
0x5a: {  	_ =	shalt  }
0x5b: {  	_ =	shalt  }
0x5c: {  	_ =	shalt  }
0x5d: {  	_ =	shalt  }
0x5e: {  	_ =	shalt  }
0x5f: {  	_ =	shalt  }
0x60: {  	_ =	shalt  }
0x61: {  	_ =	shalt  }
0x62: {  	_ =	shalt  }
0x63: {  	_ =	shalt  }
0x64: {  	_ =	shalt  }
0x65: {  	_ =	shalt  }
0x66: {  	_ =	shalt  }
0x67: {  	_ =	shalt  }
0x68: {  	_ =	shalt  }
0x69: {  	_ =	shalt  }
0x6a: {  	_ =	shalt  }
0x6b: {  	_ =	shalt  }
0x6c: {  	_ =	shalt  }
0x6d: {  	_ =	shalt  }
0x6e: {  	_ =	shalt  }
0x6f: {  	_ =	shalt  }
0x70: {  	_ =	shalt  }
0x71: {  	_ =	shalt  }
0x72: {  	_ =	shalt  }
0x73: {  	_ =	shalt  }
0x74: {  	_ =	shalt  }
0x75: {  	_ =	shalt  }
0x76: {  	_ =	shalt  }
0x77: {  	_ =	shalt  }
0x78: {  	_ =	shalt  }
0x79: {  	_ =	shalt  }
0x7a: {  	_ =	shalt  }
0x7b: {  	_ =	shalt  }
0x7c: {  	_ =	shalt  }
0x7d: {  	_ =	shalt  }
0x7e: {  	_ =	shalt  }
0x7f: {  	_ =	shalt  }
0x80: {  	_ =	shalt  }
0x81: {  	_ =	shalt  }
0x82: {  	_ =	shalt  }
0x83: {  	_ =	shalt  }
0x84: {  	_ =	shalt  }
0x85: {  	_ =	shalt  }
0x86: {  	_ =	shalt  }
0x87: {  	_ =	shalt  }
.Lfunc_end0:
.L_simem_size_0:
called_computation_lowered:
.L_overlay_start_0:
0x88: {  	s2 =	sld [smem:$0x3FD9]  }
0x89: {  	s3 =	sld [smem:$0x3FFE];
	_ =	sdelay $0x1  }
0x8a: {  	s1 =	srdreg.scid  }
0x8b: {  	s0 =	sand.u32 $0x1, s1  }
0x8c: {  	s18 =	sshll.u32 s0, $0xA;
	s2 =	sadd.s32 s3, s2  }
0x8d: {  	s2 =	sadd.s32 s2, s18  }
0x8e: {  	[smem:$0x3FC5] =	sst s2  }
0x8f: {  	_ = 	snop  }
0x90: {  	s2 =	sld [smem:$0x3FC9]  }
0x91: {  	s19 =	sld [smem:$0x3FC8]  }
0x92: {  	s4 =	sld [smem:$0x3FC7]  }
0x93: {  	s5 =	sld [smem:$0x3FD0];
	(tm) =	ssettm $0x1  }
0x94: {  	s6 =	sld [smem:$0x3FFB];
	_ =	sdelay $0x3  }
0x95: {  	_ =	strace s6  }
0x96: {  	s6 =	sld [smem:$0x3FFC];
	_ =	sdelay $0x3  }
0x97: {  	_ =	strace s6  }
0x98: {  	s6 =	sld [smem:$0x3FFD];
	_ =	sdelay $0x3  }
0x99: {  	_ =	strace s6  }
0x9a: {  	_ =	strace $0x8FFFFFFF  }
0x9b: {  	s20 =	sld [smem:$0x3FDB];
	_ =	sdelay $0x1  }
0x9c: {  	s7 =	simm.s32 $_scs_section_size  }
0x9d: {  	s8 =	simm.s32 $_size__tile_overlayer_lowered;
	s9 =	simm.s32 $_tile_overlayer_lowered  }
0x9e: {  	s23 =	simm.s32 $0x1BFF;
	s22 =	sshll.u32 s9, $0x1;
	s6 =	sadd.s32 s7, s20  }
0x9f: {  	s10 =	simm.s32 $0x0;
	s21 =	sshll.u32 s8, $0x1;
	s8 =	sadd.s32 s22, s6  }
0xa0: {  	[timem:s10], [sflag:s23] =	dma.local [hbm:s8], s21  }
0xa1: {  	_ =	swait.ge [sflag:s23], s21  }
0xa2: {  	s7 =	ssub.s32 $0x0, s21;
	[sflag:s23] =	ssyncset.done $0x0  }
0xa3: {  	[sflag:s23] =	ssyncadd.s32 s7;
	_ =	sdelay $0x1  }
0xa4: {  	s24 =	simm.s32 $0x1B8B  }
0xa5: {  	_ =	swait.ge [sflag:s24], $0x1  }
0xa6: {  	[sflag:s24] =	ssyncset.done $0x0  }
0xa7: {  	s25 =	simm.s32 $0x1B8E;
	[sflag:s24] =	ssyncadd.s32 $0xFFFFFFFF  }
0xa8: {  	s26 =	simm.s32 $execute0_lowered;
	[smem:$0x3FD2] =	sst s25  }
0xa9: {  	s7 =	sshll.u32 s26, $0x1;
	_ =	strace $0x80000046;
	[dreg:$0x1] =	wrdreg $0xFFFFFFFF  }
0xaa: {  	s28 =	simm.s32 $_size_execute0_lowered;
	s6 =	sadd.s32 s6, s7;
	[dreg:$0x0] =	wrdreg $0x0  }
0xab: {  	s7 =	sshll.u32 s28, $0x1;
	[dreg:$0x2] =	wrdreg s6  }
0xac: {  	[dreg:$0x3] =	wrdreg s7  }
0xad: {  	[dreg:$0x4] =	wrdreg $0xC0  }
0xae: {  	_ =	task [dreg:s10], $0x5FFFF  }
0xaf: {  	[dreg:$0x1] =	wrdreg $0xFFFFFFFF  }
0xb0: {  	[dreg:$0x0] =	wrdreg $0x60  }
0xb1: {  	[dreg:$0x2] =	wrdreg s2  }
0xb2: {  	[dreg:$0x3] =	wrdreg s19  }
0xb3: {  	[dreg:$0x4] =	wrdreg s4  }
0xb4: {  	[dreg:$0x5] =	wrdreg s5  }
0xb5: {  	[dreg:$0x6] =	wrdreg $0x9  }
0xb6: {  	_ =	task.clear_ibuf [dreg:s10], $0x7FFFF;
	_ =	strace $0x90000046  }
0xb7: {  	s29 =	simm.s32 $0x9;
	_ =	strace $0x80000048  }
0xb8: {  	_ =	swait.ge [sflag:s29], $0x1  }
0xb9: {  	[sflag:s29] =	ssyncadd.s32 $0xFFFFFFFF  }
0xba: {  	_ =	strace $0x90000048  }
0xbb: {  	_ =	sfence  }
0xbc: {  	s30 =	sld [smem:$0x0];
	_ =	sdelay $0x2  }
0xbd: {  	s31 =	sshll.u32 s1, $0xD;
	s1 =	sshrl.u32 s1, $0x2  }
0xbe: {  	s3 =	sand.u32 $0x4000, s31;
	s1 =	sadd.s32 s1, s30  }
0xbf: {  	s0 =	sor.u32 s3, s0;
	s1 =	sshll.u32 s1, $0x11  }
0xc0: {  	s0 =	sor.u32 s1, s0  }
0xc1: {  	s0 =	sadd.s32 $0x8F2B, s0  }
0xc2: {  	[sflag:s0] =	ssyncadd.remote.s32 $0x1  }
0xc3: {  	_ =	sfence.sel $0xFFFF  }
0xc4: {  	[dreg:$0x0] =	wrdreg $0xFFFFFFFF;
	(pc) =	sbr.abs _section_cstart, $3  }
0xc5: {  	[dreg:$0x1] =	wrdreg $0xFFFFFFFF  }
0xc6: {  	_ =	task.clear_ibuf [dreg:s10], $0x2FFFF;
	_ =	strace $0x9FFFFFFF  }
0xc7: {  	(tm) =	ssettm $0x7FFFFFFF  }
tec
execute0_lowered:
.L_overlay_start_1:
0x0: {  	(tag) =	ssettag $0x1  }
0x1: {  	s4 =	rddreg [dreg:$0x0]  }
0x2: {  	s5 =	rddreg [dreg:$0x1]  }
0x3: {  	s1 =	rddreg [dreg:$0x2]  }
0x4: {  	s6 =	rddreg [dreg:$0x3]  }
0x5: {  	s0 =	rddreg [dreg:$0x4];
	s7 =	srdreg.scid  }
0x6: {  	s3 =	simm.s32 $0x0;
	s2 =	stileid.u32;
	s11 =	simm.s32 $0x10  }
0x7: {  	s12 =	simm.s32 $0x100;
	s13 =	simm.s32 $0x900;
	s14 =	simm.s32 $0x1100  }
0x8: {  	s15 =	simm.s32 $0x3;
	s16 =	simm.s32 $0x0;
	s7 =	sand.u32 $0x1, s7  }
0x9: {  	s9 =	sshll.u32 s2, $0x2;
	[smem:$0x7FF] =	sst s3;
	s8 =	ssub.s32 $0x2, s7  }
0xa: {  	v0 =	vlaneseq.u32;
	s7 =	sshll.u32 s7, $0x1;
	_ =	strace $0x80000047;
	s10 =	sshrl.u32 s8, $0x1  }
0xb: {  	v0 =	vmul.u32 $0x80, v0;
	s7 =	sor.u32 s7, s9;
	s9 =	simm.s32 $0x1;
	s8 =	ssub.s32 s8, s10  }
0xc: {  	s4 =	sadd.s32 s4, s7;
	s5 =	sadd.s32 s5, s7;
	s6 =	sadd.s32 s6, s7  }
0xd: {  	v1 =	vor.u32 $0x40, v0;
	s10 =	simm.s32 $0x2;
	s7 =	smax.u32 s8, $0x1;
	s8 =	simm.s32 $0x80  }
.LBB2_1:
0xe: {  	[tilespmem:s3], [sflag:$0x1] =	stream.linear.gather [hbm4b:s4+s3], $0x10, $0x38;
	[tilespmem:$0x1180] =	vst v63  }
0xf: {  	_ = 	snop  }
0x10: {  	[tilespmem:s8], [sflag:$0x2] =	stream.linear.gather [hbm4b:s5+s3], $0x10, $0x38;
	[tilespmem:$0x1180] =	vst v63  }
0x11: {  	_ =	swait.ge [sflag:s9], $0x10  }
0x12: {  	[sflag:s9] =	ssyncset.done $0x0  }
0x13: {  	[sflag:s9] =	ssyncadd.s32 $0xFFFFFFF0  }
0x14: {  	_ =	swait.ge [sflag:s10], $0x10  }
0x15: {  	[sflag:s10] =	ssyncset.done $0x0  }
0x16: {  	[sflag:s10] =	ssyncadd.s32 $0xFFFFFFF0  }
0x17: {  	[tilespmem:s12], [sflag:$0x1] =	stream.indirect.gather [hbm4b:s1+s11], $0x80, s3, s11, $0xb8;
	[tilespmem:$0x1180] =	vst v63  }
0x18: {  	_ = 	snop  }
0x19: {  	[tilespmem:s13], [sflag:$0x2] =	stream.indirect.gather [hbm4b:s1+s11], $0x80, s8, s11, $0xb8;
	[tilespmem:$0x1180] =	vst v63  }
0x1a: {  	s17 =	simm.s32 $0x1;
	_ =	swait.ge [sflag:s9], $0x800  }
0x1b: {  	s18 =	simm.s32 $0x0;
	v2 =	vor.u32 s17, v1;
	[sflag:s9] =	ssyncset.done $0x0  }
0x1c: {  	v3 =	vor.u32 s18, v1;
	[sflag:s9] =	ssyncadd.s32 $0xFFFFF800  }
0x1d: {  	s19 =	simm.s32 $0x3;
	v4 =	vor.u32 s18, v0;
	_ =	swait.ge [sflag:s10], $0x800  }
0x1e: {  	s20 =	simm.s32 $0x5;
	v5 =	vor.u32 s19, v1;
	[sflag:s10] =	ssyncset.done $0x0  }
0x1f: {  	v9 =	vor.u32 s20, v1;
	[sflag:s10] =	ssyncadd.s32 $0xFFFFF800  }
0x20: {  	s21 =	simm.s32 $0x6;
	v16 =	vld.idx.msk [tilespmem:v2+s12+$0x0], $0xffff  }
0x21: {  	v10 =	vor.u32 s21, v1;
	v19 =	vld.idx.msk [tilespmem:v3+s12+$0x0], $0xffff  }
0x22: {  	v11 =	vor.u32 s20, v0;
	v7 =	vld.idx.msk [tilespmem:v4+s13+$0x0], $0xffff  }
0x23: {  	v12 =	vor.u32 s17, v0;
	v20 =	vld.idx.msk [tilespmem:v5+s12+$0x0], $0xffff  }
0x24: {  	v13 =	vor.u32 s21, v0;
	v23 =	vld.idx.msk [tilespmem:v9+s13+$0x0], $0xffff  }
0x25: {  	v24 =	vld.idx.msk [tilespmem:v5+s13+$0x0], $0xffff  }
0x26: {  	v25 =	vld.idx.msk [tilespmem:v10+s13+$0x0], $0xffff  }
0x27: {  	v28 =	vld.idx.msk [tilespmem:v11+s13+$0x0], $0xffff  }
0x28: {  	v27 =	vld.idx.msk [tilespmem:v12+s13+$0x0], $0xffff  }
0x29: {  	s30 =	simm.s32 $0x4;
	v6 =	vld.idx.msk [tilespmem:v13+s13+$0x0], $0xffff  }
0x2a: {  	v29 =	vor.u32 s30, v1;
	v14 =	vld.idx.msk [tilespmem:v9+s12+$0x0], $0xffff  }
0x2b: {  	v9 =	vld.idx.msk [tilespmem:v10+s12+$0x0], $0xffff  }
0x2c: {  	s29 =	simm.s32 $0x2;
	v10 =	vld.idx.msk [tilespmem:v13+s12+$0x0], $0xffff  }
0x2d: {  	v22 =	vor.u32 s29, v1;
	v30 =	vld.idx.msk [tilespmem:v2+s13+$0x0], $0xffff  }
0x2e: {  	v26 =	vld.idx.msk [tilespmem:v11+s12+$0x0], $0xffff  }
0x2f: {  	v18 =	vor.u32 s19, v0;
	v11 =	vld.idx.msk [tilespmem:v29+s13+$0x0], $0xffff  }
0x30: {  	v37 =	vld.idx.msk [tilespmem:v3+s13+$0x0], $0xffff  }
0x31: {  	v33 =	vld.idx.msk [tilespmem:v4+s12+$0x0], $0xffff;
	v32 =	vsub.f32 $0.0e+00, v20;
	v35 =	vsub.f32 $0.0e+00, v24  }
0x32: {  	v15 =	vor.u32 s29, v0;
	v21 =	vld.idx.msk [tilespmem:v22+s13+$0x0], $0xffff;
	v3 =	vsub.f32 $0.0e+00, v23;
	v13 =	vsub.f32 $0.0e+00, v16  }
0x33: {  	v31 =	vor.u32 s30, v0;
	v36 =	vld.idx.msk [tilespmem:v12+s12+$0x0], $0xffff;
	v2 =	vsub.f32 $0.0e+00, v25;
	v5 =	vsub.f32 $0.0e+00, v14  }
0x34: {  	v38 =	vld.idx.msk [tilespmem:v18+s12+$0x0], $0xffff;
	v34 =	vsub.f32 v6, v10;
	v4 =	vsub.f32 $0.0e+00, v9  }
0x35: {  	v18 =	vld.idx.msk [tilespmem:v18+s13+$0x0], $0xffff;
	v12 =	vsub.f32 $0.0e+00, v19;
	v39 =	vadd.f32 v9, v10  }
0x36: {  	v40 =	vld.idx.msk [tilespmem:v22+s12+$0x0], $0xffff;
	v56 =	vsub.f32 $0.0e+00, v30;
	v9 =	vsub.f32 $0.0e+00, v11  }
0x37: {  	v46 =	vld.idx.msk [tilespmem:v15+s12+$0x0], $0xffff;
	v42 =	vsub.f32 v7, v33;
	v57 =	vadd.f32 v14, v26  }
0x38: {  	v44 =	vld.idx.msk [tilespmem:v31+s12+$0x0], $0xffff;
	v22 =	vsub.f32 $0.0e+00, v37;
	v43 =	vsub.f32 $0.0e+00, v21  }
0x39: {  	v14 =	vld.idx.msk [tilespmem:v31+s13+$0x0], $0xffff;
	v31 =	vsub.f32 v28, v26;
	v45 =	vsub.f32 v27, v36  }
0x3a: {  	v16 =	vadd.f32 v16, v36;
	v58 =	vsub.f32 v18, v38  }
0x3b: {  	v17 =	vimm.f32 $0.0e+00;
	s31 =	simm.s32 $0x7;
	v59 =	vld.idx.msk [tilespmem:v29+s12+$0x0], $0xffff;
	v29 =	vadd.f32 v20, v38;
	v60 =	vsub.f32 $0.0e+00, v40  }
0x3c: {  	v62 =	vor.u32 s31, v0;
	v47 =	vadd.f32 v19, v33;
	v40 =	vadd.f32 v40, v46  }
0x3d: {  	v13 =	vmax.f32 v13, $0.0e+00;
	v10 =	vmax.f32 v34, $0.0e+00;
	v41 =	vmax.f32 v12, $0.0e+00  }
0x3e: {  	v8 =	vld.idx.msk [tilespmem:v15+s13+$0x0], $0xffff;
	v12 =	vmax.f32 v56, $0.0e+00;
	v26 =	vmax.f32 v22, $0.0e+00;
	v22 =	vmax.f32 v31, $0.0e+00  }
0x3f: {  	v15 =	vmax.f32 v42, $0.0e+00;
	v25 =	vsub.f32 v39, v25;
	v20 =	vmax.f32 v45, $0.0e+00  }
0x40: {  	v16 =	vsub.f32 v16, v30;
	v30 =	vsub.f32 v57, v23;
	v31 =	vor.u32 s31, v1  }
0x41: {  	v33 =	vsub.f32 v29, v24;
	v19 =	vmax.f32 v32, $0.0e+00;
	v36 =	vmax.f32 v58, $0.0e+00  }
0x42: {  	v32 =	vadd.f32 v59, v44;
	v39 =	vsub.f32 v47, v37;
	v10 =	vmul.f32 v10, v10  }
0x43: {  	v15 =	vmul.f32 v15, v15;
	v61 =	vsub.f32 v16, v27;
	v16 =	vsub.f32 v8, v46  }
0x44: {  	v49 =	vmul.f32 v20, v20;
	v27 =	vsub.f32 $0.0e+00, v59;
	v29 =	vsub.f32 v30, v28  }
0x45: {  	v20 =	vmax.f32 v43, $0.0e+00;
	v23 =	vsub.f32 v14, v44;
	v48 =	vadd.f32 v15, v17  }
0x46: {  	v24 =	vld.idx.msk [tilespmem:v62+s13+$0x0], $0xffff;
	v28 =	vadd.f32 v41, v17;
	v16 =	vmax.f32 v16, $0.0e+00;
	v37 =	vmax.f32 v61, $0.0e+00  }
0x47: {  	v30 =	vld.idx.msk [tilespmem:v62+s12+$0x0], $0xffff;
	v63 =	vmax.f32 v23, $0.0e+00;
	v34 =	vmul.f32 v16, v16;
	v38 =	vadd.f32 v49, v48  }
0x48: {  	s17 =	simm.s32 $0xF;
	v23 =	vmax.f32 v60, $0.0e+00;
	v15 =	vld.idx.msk [tilespmem:v31+s12+$0x0], $0xffff;
	v16 =	vmax.f32 v35, $0.0e+00;
	v35 =	vmul.f32 v63, v63  }
.LBB2_2:
0x49: {  	s18 =	sadd.s32 $0xFFFFFFF9, s17;
	s19 =	sadd.s32 $0xFFFFFFFA, s17;
	s20 =	sadd.s32 $0xFFFFFFFB, s17;
	v26 =	vadd.f32 v26, v28;
	v38 =	vadd.f32 v34, v38;
	v34 =	vmax.f32 v27, $0.0e+00  }
0x4a: {  	s21 =	sadd.s32 $0xFFFFFFFC, s17;
	s22 =	sadd.s32 $0xFFFFFFFD, s17;
	s23 =	sadd.s32 $0xFFFFFFFE, s17;
	v41 =	vor.u32 s18, v1;
	v42 =	vor.u32 s19, v1;
	v21 =	vsub.f32 v40, v21  }
0x4b: {  	p0 =	sne.s32 s17, $0x3F;
	v40 =	vor.u32 s18, v0;
	v43 =	vor.u32 s21, v1;
	s18 =	smov.u32 s17;
	s17 =	sadd.s32 $0x8, s17;
	v13 =	vadd.f32 v13, v26  }
0x4c: {  	v44 =	vor.u32 s19, v0;
	v28 =	vor.u32 s20, v0;
	v39 =	vsub.f32 v39, v7  }
0x4d: {  	v46 =	vmul.f32 v36, v36;
	v45 =	vor.u32 s22, v1;
	v26 =	vor.u32 s22, v0  }
0x4e: {  	v47 =	vor.u32 s23, v0;
	v48 =	vor.u32 s23, v1;
	v21 =	vsub.f32 v21, v8;
	v49 =	vld.idx.msk [tilespmem:v31+s13+$0x0], $0xffff  }
0x4f: {  	v50 =	vor.u32 s20, v1;
	v51 =	vor.u32 s21, v0;
	s19 =	sadd.s32 $0xFFFFFFFF, s18;
	v52 =	vsub.f32 v24, v30;
	v31 =	vld.idx.msk [tilespmem:v42+s12+$0x0], $0xffff  }
0x50: {  	v37 =	vmul.f32 v37, v37;
	v18 =	vsub.f32 v33, v18;
	v53 =	vor.u32 s19, v1;
	v27 =	vld.idx.msk [tilespmem:v41+s12+$0x0], $0xffff  }
0x51: {  	v54 =	vor.u32 s19, v0;
	v12 =	vadd.f32 v12, v13;
	v13 =	vmax.f32 v29, $0.0e+00;
	v7 =	vld.idx.msk [tilespmem:v40+s13+$0x0], $0xffff  }
0x52: {  	v22 =	vmul.f32 v22, v22;
	v6 =	vsub.f32 v25, v6;
	v29 =	vmax.f32 v39, $0.0e+00;
	v33 =	vld.idx.msk [tilespmem:v43+s12+$0x0], $0xffff  }
0x53: {  	v11 =	vsub.f32 v32, v11;
	v18 =	vmax.f32 v18, $0.0e+00;
	v25 =	vmul.f32 v29, v29;
	v8 =	vld.idx.msk [tilespmem:v28+s13+$0x0], $0xffff  }
0x54: {  	v21 =	vmax.f32 v21, $0.0e+00;
	v12 =	vadd.f32 v23, v12;
	v23 =	vmax.f32 v9, $0.0e+00;
	v36 =	vld.idx.msk [tilespmem:v48+s13+$0x0], $0xffff  }
0x55: {  	v6 =	vmax.f32 v6, $0.0e+00;
	v9 =	vadd.f32 v25, v17;
	v17 =	vmul.f32 v13, v13;
	v29 =	vld.idx.msk [tilespmem:v43+s13+$0x0], $0xffff  }
0x56: {  	v11 =	vsub.f32 v11, v14;
	v18 =	vmul.f32 v18, v18;
	v13 =	vadd.f32 v46, v38;
	v25 =	vld.idx.msk [tilespmem:v53+s13+$0x0], $0xffff  }
0x57: {  	v14 =	vmul.f32 v6, v6;
	v9 =	vadd.f32 v37, v9;
	v37 =	vmax.f32 v5, $0.0e+00;
	v32 =	vld.idx.msk [tilespmem:v47+s13+$0x0], $0xffff  }
0x58: {  	v12 =	vadd.f32 v20, v12;
	v5 =	vmul.f32 v21, v21;
	v13 =	vadd.f32 v35, v13;
	v38 =	vld.idx.msk [tilespmem:v44+s13+$0x0], $0xffff  }
0x59: {  	v11 =	vmax.f32 v11, $0.0e+00;
	v20 =	vadd.f32 v15, v30;
	v15 =	vsub.f32 $0.0e+00, v15;
	v6 =	vld.idx.msk [tilespmem:v54+s13+$0x0], $0xffff  }
0x5a: {  	v12 =	vadd.f32 v19, v12;
	v19 =	vmax.f32 v3, $0.0e+00;
	v30 =	vsub.f32 $0.0e+00, v33;
	v39 =	vld.idx.msk [tilespmem:v48+s12+$0x0], $0xffff  }
0x5b: {  	v5 =	vadd.f32 v5, v9;
	v9 =	vmul.f32 v11, v11;
	v35 =	vsub.f32 $0.0e+00, v29;
	v43 =	vld.idx.msk [tilespmem:v53+s12+$0x0], $0xffff  }
0x5c: {  	v11 =	vadd.f32 v22, v13;
	v3 =	vsub.f32 $0.0e+00, v36;
	v48 =	vmax.f32 v4, $0.0e+00;
	v46 =	vld.idx.msk [tilespmem:v54+s12+$0x0], $0xffff  }
0x5d: {  	v13 =	vsub.f32 $0.0e+00, v31;
	v21 =	vsub.f32 $0.0e+00, v25;
	v42 =	vld.idx.msk [tilespmem:v42+s13+$0x0], $0xffff  }
0x5e: {  	v12 =	vadd.f32 v16, v12;
	v16 =	vsub.f32 v20, v49;
	v4 =	vmax.f32 v52, $0.0e+00;
	v22 =	vld.idx.msk [tilespmem:v47+s12+$0x0], $0xffff  }
0x5f: {  	v18 =	vadd.f32 v18, v5;
	v10 =	vadd.f32 v10, v11;
	v20 =	vmul.f32 v4, v4;
	v47 =	vld.idx.msk [tilespmem:v45+s12+$0x0], $0xffff  }
0x60: {  	v5 =	vsub.f32 $0.0e+00, v39;
	v11 =	vld.idx.msk [tilespmem:v45+s13+$0x0], $0xffff;
	v45 =	vsub.f32 $0.0e+00, v49  }
0x61: {  	v16 =	vsub.f32 v16, v24;
	v4 =	vsub.f32 $0.0e+00, v43;
	v41 =	vld.idx.msk [tilespmem:v41+s13+$0x0], $0xffff  }
0x62: {  	v20 =	vadd.f32 v20, v10;
	v49 =	vmax.f32 v2, $0.0e+00;
	v2 =	vmovc v21;
	v24 =	vld.idx.msk [tilespmem:v40+s12+$0x0], $0xffff;
	v40 =	vsub.f32 v6, v46  }
0x63: {  	v13 =	vmax.f32 v13, $0.0e+00;
	v9 =	vadd.f32 v9, v18;
	v43 =	vadd.f32 v43, v46;
	v21 =	vld.idx.msk [tilespmem:v50+s13+$0x0], $0xffff  }
0x64: {  	v12 =	vadd.f32 v34, v12;
	v10 =	vsub.f32 $0.0e+00, v27;
	v44 =	vld.idx.msk [tilespmem:v44+s12+$0x0], $0xffff;
	v40 =	vmax.f32 v40, $0.0e+00  }
0x65: {  	v16 =	vmax.f32 v16, $0.0e+00;
	v17 =	vadd.f32 v17, v9;
	v18 =	vsub.f32 $0.0e+00, v42;
	v34 =	vld.idx.msk [tilespmem:v51+s12+$0x0], $0xffff  }
0x66: {  	v23 =	vadd.f32 v23, v12;
	v45 =	vmax.f32 v45, $0.0e+00;
	v9 =	vsub.f32 $0.0e+00, v11;
	v46 =	vld.idx.msk [tilespmem:v50+s12+$0x0], $0xffff  }
0x67: {  	v17 =	vadd.f32 v14, v17;
	v12 =	vmax.f32 v18, $0.0e+00;
	v50 =	vmax.f32 v10, $0.0e+00;
	v18 =	vld.idx.msk [tilespmem:v51+s13+$0x0], $0xffff  }
0x68: {  	v15 =	vmax.f32 v15, $0.0e+00;
	v39 =	vadd.f32 v39, v22;
	v51 =	vsub.f32 v7, v24  }
0x69: {  	v16 =	vmul.f32 v16, v16;
	v23 =	vadd.f32 v37, v23;
	v52 =	vsub.f32 $0.0e+00, v41;
	v14 =	vld.idx.msk [tilespmem:v26+s13+$0x0], $0xffff  }
0x6a: {  	v22 =	vsub.f32 v32, v22;
	v10 =	vmul.f32 v40, v40;
	v37 =	vsub.f32 $0.0e+00, v21;
	v53 =	vld.idx.msk [tilespmem:v26+s12+$0x0], $0xffff  }
0x6b: {  	v19 =	vadd.f32 v19, v23;
	v40 =	vsub.f32 v38, v44;
	v26 =	vmax.f32 v52, $0.0e+00  }
0x6c: {  	v17 =	vadd.f32 v16, v17;
	v22 =	vmax.f32 v22, $0.0e+00;
	v23 =	vadd.f32 v31, v44;
	v44 =	vld.idx.msk [tilespmem:v28+s12+$0x0], $0xffff  }
0x6d: {  	v25 =	vsub.f32 v43, v25;
	v16 =	vmax.f32 v51, $0.0e+00;
	v51 =	vsub.f32 v18, v34  }
0x6e: {  	v19 =	vadd.f32 v48, v19;
	v16 =	vmul.f32 v16, v16;
	v28 =	vadd.f32 v33, v34  }
0x6f: {  	v23 =	vsub.f32 v23, v42;
	v33 =	vmax.f32 v40, $0.0e+00;
	v34 =	vsub.f32 v39, v36  }
0x70: {  	v19 =	vadd.f32 v49, v19;
	v31 =	vor.u32 s18, v1;
	v36 =	vsub.f32 v14, v53  }
0x71: {  	v40 =	vsub.f32 v23, v38;
	v23 =	vsub.f32 $0.0e+00, v46;
	v38 =	vor.u32 s18, v0  }
0x72: {  	v15 =	vadd.f32 v15, v19;
	v39 =	vsub.f32 v8, v44;
	v36 =	vmax.f32 v36, $0.0e+00  }
0x73: {  	v42 =	vadd.f32 v27, v24;
	v27 =	vsub.f32 $0.0e+00, v47;
	v23 =	vmax.f32 v23, $0.0e+00  }
0x74: {  	v43 =	vadd.f32 v16, v20;
	v16 =	vadd.f32 v45, v15;
	v48 =	vmul.f32 v33, v33  }
.Ltmp0:
0x75: {  	v20 =	vmax.f32 v37, $0.0e+00;
	v33 =	vsub.f32 v28, v29;
	v29 =	vsub.f32 v34, v32;
	v15 =	vld.idx.msk [tilespmem:v31+s12+$0x0], $0xffff;
	(pc) =	sbr.rel @p0 .LBB2_2-.Ltmp0, $4  }
0x76: {  	v19 =	vmax.f32 v30, $0.0e+00;
	v28 =	vadd.f32 v50, v16;
	v16 =	vmax.f32 v39, $0.0e+00;
	v30 =	vld.idx.msk [tilespmem:v38+s12+$0x0], $0xffff  }
0x77: {  	v34 =	vmul.f32 v16, v16;
	v16 =	vmax.f32 v35, $0.0e+00;
	v35 =	vmul.f32 v36, v36;
	v24 =	vld.idx.msk [tilespmem:v38+s13+$0x0], $0xffff  }
0x78: {  	v32 =	vadd.f32 v47, v53;
	v36 =	vmax.f32 v51, $0.0e+00;
	v38 =	vadd.f32 v48, v43  }
0x79: {  	v37 =	vmax.f32 v40, $0.0e+00;
	v40 =	vadd.f32 v46, v44;
	v39 =	vsub.f32 v42, v41  }
0x7a: {  	_ = 	snop  }
0x7b: {  	v7 =	vsub.f32 v39, v7;
	_ =	sdelay $0x1  }
0x7c: {  	v21 =	vsub.f32 v40, v21;
	v7 =	vmax.f32 v7, $0.0e+00  }
0x7d: {  	v7 =	vmul.f32 v7, v7  }
0x7e: {  	v8 =	vsub.f32 v21, v8  }
0x7f: {  	v61 =	vmul.f32 v37, v37;
	v7 =	vadd.f32 v7, v17  }
0x80: {  	v62 =	vsub.f32 v33, v18;
	v11 =	vsub.f32 v32, v11;
	v8 =	vmax.f32 v8, $0.0e+00  }
0x81: {  	v63 =	vadd.f32 v34, v38;
	v31 =	vld.idx.msk [tilespmem:v31+s13+$0x0], $0xffff;
	v8 =	vmul.f32 v8, v8;
	v7 =	vadd.f32 v61, v7  }
0x82: {  	v32 =	vmul.f32 v36, v36;
	v11 =	vsub.f32 v11, v14;
	v17 =	vmax.f32 v62, $0.0e+00  }
0x83: {  	v33 =	vmax.f32 v29, $0.0e+00;
	v17 =	vmul.f32 v17, v17;
	v7 =	vadd.f32 v8, v7  }
0x84: {  	v36 =	vadd.f32 v15, v30;
	v34 =	vadd.f32 v32, v63;
	v11 =	vmax.f32 v11, $0.0e+00  }
0x85: {  	v6 =	vsub.f32 v25, v6;
	v11 =	vmul.f32 v11, v11;
	v7 =	vadd.f32 v17, v7  }
0x86: {  	v37 =	vmul.f32 v22, v22;
	v18 =	vsub.f32 v36, v31;
	v8 =	vadd.f32 v35, v34  }
0x87: {  	v38 =	vsub.f32 v24, v30;
	v14 =	vmul.f32 v33, v33;
	v7 =	vadd.f32 v11, v7  }
0x88: {  	v6 =	vmax.f32 v6, $0.0e+00;
	v39 =	vsub.f32 v18, v24;
	v8 =	vadd.f32 v37, v8  }
0x89: {  	v6 =	vmul.f32 v6, v6;
	v40 =	vmax.f32 v38, $0.0e+00;
	v7 =	vadd.f32 v14, v7  }
0x8a: {  	v41 =	vmul.f32 v40, v40;
	v8 =	vadd.f32 v10, v8;
	v11 =	vmax.f32 v39, $0.0e+00  }
0x8b: {  	v42 =	vmul.f32 v11, v11;
	v6 =	vadd.f32 v6, v7  }
0x8c: {  	v8 =	vadd.f32 v41, v8  }
0x8d: {  	v6 =	vadd.f32 v42, v6  }
0x8e: {  	v43 =	vshrl.u32 v8, $0x1  }
0x8f: {  	v10 =	vmul.f32 $5.000000000e-01, v8;
	v44 =	vshrl.u32 v6, $0x1;
	v45 =	vmul.f32 $5.000000000e-01, v6  }
0x90: {  	v46 =	vadd.f32 v26, v28;
	v7 =	vsub.s32 $0x5F3759DF, v43;
	v11 =	vsub.s32 $0x5F3759DF, v44  }
0x91: {  	v47 =	vmul.f32 v7, v10;
	v48 =	vmul.f32 v11, v45  }
0x92: {  	v13 =	vadd.f32 v13, v46  }
0x93: {  	v49 =	vmul.f32 v7, v47;
	v50 =	vmul.f32 v11, v48  }
0x94: {  	v12 =	vadd.f32 v12, v13  }
0x95: {  	v51 =	vsub.f32 $1.500000000e+00, v49;
	v52 =	vsub.f32 $1.500000000e+00, v50  }
0x96: {  	v12 =	vadd.f32 v23, v12  }
0x97: {  	v7 =	vmul.f32 v7, v51;
	v11 =	vmul.f32 v11, v52  }
0x98: {  	v12 =	vadd.f32 v20, v12  }
0x99: {  	v13 =	vmul.f32 v7, v10;
	v17 =	vmul.f32 v11, v45  }
0x9a: {  	v12 =	vadd.f32 v19, v12  }
0x9b: {  	v13 =	vmul.f32 v13, v7;
	v17 =	vmul.f32 v17, v11  }
0x9c: {  	v12 =	vadd.f32 v16, v12  }
0x9d: {  	v53 =	vmax.f32 v27, $0.0e+00;
	v13 =	vsub.f32 $1.500000000e+00, v13;
	v17 =	vsub.f32 $1.500000000e+00, v17  }
0x9e: {  	v12 =	vadd.f32 v53, v12  }
0x9f: {  	v9 =	vmax.f32 v9, $0.0e+00;
	v7 =	vmul.f32 v13, v7;
	v11 =	vmul.f32 v17, v11  }
0xa0: {  	v9 =	vadd.f32 v9, v12  }
0xa1: {  	v5 =	vmax.f32 v5, $0.0e+00;
	v10 =	vmul.f32 v7, v10;
	v54 =	vmul.f32 v11, v45  }
0xa2: {  	v5 =	vadd.f32 v5, v9  }
0xa3: {  	v3 =	vmax.f32 v3, $0.0e+00;
	v55 =	vmul.f32 v10, v7;
	v56 =	vmul.f32 v54, v11  }
0xa4: {  	v3 =	vadd.f32 v3, v5  }
0xa5: {  	v4 =	vmax.f32 v4, $0.0e+00;
	v57 =	vsub.f32 $1.500000000e+00, v55;
	v58 =	vsub.f32 $1.500000000e+00, v56  }
0xa6: {  	v59 =	vsub.f32 $0.0e+00, v15;
	v3 =	vadd.f32 v4, v3  }
0xa7: {  	v2 =	vmax.f32 v2, $0.0e+00;
	v60 =	vmul.f32 v57, v7;
	v61 =	vmul.f32 v58, v11  }
0xa8: {  	v62 =	vsub.f32 $0.0e+00, v31;
	v2 =	vadd.f32 v2, v3  }
0xa9: {  	v3 =	vmax.f32 v59, $0.0e+00;
	v4 =	vmul.f32 v60, v8;
	v5 =	vmul.f32 v61, v6  }
0xaa: {  	vm0 =	vgt.f32 v8, $0.0e+00;
	vm1 =	vgt.f32 v6, $0.0e+00;
	v2 =	vadd.f32 v3, v2  }
0xab: {  	v63 =	vmax.f32 v62, $0.0e+00;
	v3 =	vnsel vm0, $0x0, v4;
	v5 =	vnsel vm1, $0x0, v5  }
0xac: {  	v2 =	vadd.f32 v63, v2;
	v3 =	vadd.f32 v5, v3;
	_ =	sdelay $0x1  }
0xad: {  	s16 =	sadd.s32 $0x1, s16;
	v2 =	vadd.f32 v3, v2  }
0xae: {  	p0 =	sne.s32 s16, s7  }
.Ltmp1:
0xaf: {  	[tilespmem:$0x1100] =	vst v2;
	(pc) =	sbr.rel @p0 .LBB2_1-.Ltmp1, $4  }
0xb0: {  	[hbm4b:s6+s3] =	stream.linear.scatter [tilespmem:s14], [sflag:$0x3], $0x10, $0x38;
	[tilespmem:$0x1180] =	vst v63  }
0xb1: {  	_ =	swait.ge [sflag:s15], $0x10  }
0xb2: {  	[sflag:s15] =	ssyncset.done $0x0  }
0xb3: {  	[sflag:s15] =	ssyncadd.s32 $0xFFFFFFF0  }
0xb4: {  	_ =	sfence.sel $0x180000  }
0xb5: {  	[bflag:$0x0] =	sbarrier.arrive $0xFFFF  }
0xb6: {  	p0 =	sne.s32 s2, $0x0;
	_ =	strace $0x90000047  }
0xb7: {  	s0 =	sadd.s32 @!p0 $0x100000, s0;
	[bflag:$0x2] =	sbarrier.arrive $0xFFFF  }
0xb8: {  	[sflag:s0] =	ssyncadd.tile.s32 @!p0 $0x1;
	_ =	shalt  }
.Lfunc_end2:
_tile_overlayer_lowered:
.L_overlay_start_2:
0xb9: {  	(tag) =	ssettag $0x2  }
0xba: {  	s0 =	rddreg [dreg:$0x0];
	s2 =	stileid.u32  }
0xbb: {  	s1 =	rddreg [dreg:$0x1];
	p0 =	sne.s32 s2, $0x0  }
0xbc: {  	s3 =	rddreg [dreg:$0x2];
	[bflag:$0x3] =	sbarrier.arrive $0xFFFF;
	s2 =	simm.s32 @!p0 $0x1C03  }
0xbd: {  	[timem:s3], [sflag:s2] =	dma.local @!p0 [hbm:s0], s1  }
0xbe: {  	s0 =	simm.s32 @!p0 $0x3  }
0xbf: {  	_ =	swait.ge @!p0 [sflag:s0], s1  }
0xc0: {  	s1 =	ssub.s32 @!p0 $0x0, s1;
	[sflag:s0] =	ssyncset.done @!p0 $0x0  }
0xc1: {  	[sflag:s0] =	ssyncadd.s32 @!p0 s1  }
0xc2: {  	[bflag:$0x3] =	sbarrier.arrive $0xFFFF  }
0xc3: {  	_ =	shalt  }

</sc_bundles>
